<compile_context>
chip_gen: v7x
topology: tpu7x:2x2x1
jax: 0.10.2.dev20260603
libtpu: 0.0.44.dev20260713+nightly
codegen_flags: <defaults>
</compile_context>

<pallas_src>
import functools

import jax
import jax.numpy as jnp
from jax import lax
from jax.experimental import pallas as pl
from jax.experimental.pallas import tpu as pltpu
from jax.experimental.pallas import tpu_sc as plsc

B, H, W, C = 16, 512, 512, 3
N = H * W
NB = 4096
CHUNK = 8192
LANES = 16
LO_EDGE = -8.0

_POS_LO = 0.10 * (N - 1)
_POS_HI = 0.90 * (N - 1)
K_LO = int(_POS_LO)
K_HI = int(_POS_HI)
FRAC_LO = _POS_LO - K_LO
FRAC_HI = _POS_HI - K_HI


def _mean_minmax_kernel(x_ref, m_ref, mf_ref):
    x = x_ref[0]
    j = lax.broadcasted_iota(jnp.int32, (W * C, W), 0)
    p = lax.broadcasted_iota(jnp.int32, (W * C, W), 1)
    wmat = jnp.where((j // 3) == p, jnp.float32(1.0),
                     jnp.float32(0.0)).astype(jnp.bfloat16)
    hi = x.astype(jnp.bfloat16)
    lo = (x - hi.astype(jnp.float32)).astype(jnp.bfloat16)
    ssum = (jnp.dot(hi, wmat, preferred_element_type=jnp.float32)
            + jnp.dot(lo, wmat, preferred_element_type=jnp.float32))
    m = ssum * jnp.float32(1.0 / 3.0)
    m_ref[0] = m
    mf_ref[...] = m.reshape(N)


_mean_call = pl.pallas_call(
    _mean_minmax_kernel,
    grid=(B,),
    in_specs=[pl.BlockSpec((1, H, W * C), lambda i: (i, 0, 0))],
    out_specs=[
        pl.BlockSpec((1, H, W), lambda i: (i, 0, 0)),
        pl.BlockSpec((N,), lambda i: (i,)),
    ],
    out_shape=[
        jax.ShapeDtypeStruct((B, H, W), jnp.float32),
        jax.ShapeDtypeStruct((B * N,), jnp.float32),
    ],
)


def _sc_body(means_hbm, lo_hbm, up_hbm,
             buf0, buf1, merged, cum, part, row_lo, row_up, hist_shr,
             sem0, sem1):
    c = lax.axis_index("c")
    s = lax.axis_index("s")
    sample = c * 8 + lax.rem(s, 8)
    half = lax.div(s, 8)

    lo_edge = jnp.float32(LO_EDGE)
    inv_w = jnp.float32(NB / (2.0 * -LO_EDGE))
    w1 = jnp.float32((2.0 * -LO_EDGE) / NB)
    shift = jnp.float32(-LO_EDGE) * inv_w

    @plsc.parallel_loop(0, NB // LANES, unroll=8)
    def _(i):
        merged[pl.ds(i * LANES, LANES)] = jnp.zeros((LANES,), jnp.int32)

    ones = jnp.ones((LANES,), jnp.int32)
    base = half * (N // 2)

    def src(ci):
        return means_hbm.at[pl.ds(sample * N + base + ci * CHUNK, CHUNK)]

    def scan_chunk(b):
        @plsc.parallel_loop(0, CHUNK // LANES, unroll=8)
        def _(i):
            v = b[pl.ds(i * LANES, LANES)]
            idx = jnp.clip((v * inv_w + shift).astype(jnp.int32), 0, NB - 1)
            plsc.addupdate_scatter(merged, [idx], ones)

    npairs = (N // 2) // (2 * CHUNK)
    pltpu.async_copy(src(0), buf0, sem0)

    def pair_body(p, _):
        c0 = p * 2
        pltpu.async_copy(src(c0 + 1), buf1, sem1)
        pltpu.make_async_copy(src(c0), buf0, sem0).wait()
        scan_chunk(buf0)

        @pl.when(p < npairs - 1)
        def _():
            pltpu.async_copy(src(c0 + 2), buf0, sem0)

        pltpu.make_async_copy(src(c0 + 1), buf1, sem1).wait()
        scan_chunk(buf1)
        return 0

    lax.fori_loop(0, npairs, pair_body, 0)

    pltpu.sync_copy(merged, hist_shr.at[s])
    plsc.subcore_barrier()
    pltpu.sync_copy(hist_shr.at[lax.rem(s + 8, 16)], part)

    @plsc.parallel_loop(0, NB // LANES, unroll=4,
                        carry=jnp.zeros((LANES,), jnp.int32))
    def _(i, carry):
        sl = pl.ds(i * LANES, LANES)
        hv = merged[sl] + part[sl]
        merged[sl] = hv
        cum[sl] = carry + plsc.cumsum(hv)
        return carry + jnp.sum(hv)

    @pl.when(half == 0)
    def _():
        z = jnp.zeros((LANES,), jnp.int32)

        @plsc.parallel_loop(0, NB // LANES, unroll=4, carry=(z, z, z, z))
        def b4(i, accs):
            cv = cum[pl.ds(i * LANES, LANES)]
            return (accs[0] + plsc.all_reduce_population_count(cv <= K_LO),
                    accs[1] + plsc.all_reduce_population_count(cv <= K_LO + 1),
                    accs[2] + plsc.all_reduce_population_count(cv <= K_HI),
                    accs[3] + plsc.all_reduce_population_count(cv <= K_HI + 1))

        def order_stat(k, b):
            cnt = plsc.load_gather(merged, [b])
            below = plsc.load_gather(cum, [b]) - cnt
            rank = (jnp.float32(k) - below.astype(jnp.float32)
                    + jnp.float32(0.5)) / cnt.astype(jnp.float32)
            return lo_edge + w1 * (b.astype(jnp.float32) + rank)

        v_lo0 = order_stat(K_LO, b4[0])
        v_lo1 = order_stat(K_LO + 1, b4[1])
        v_hi0 = order_stat(K_HI, b4[2])
        v_hi1 = order_stat(K_HI + 1, b4[3])
        lower = v_lo0 + jnp.float32(FRAC_LO) * (v_lo1 - v_lo0)
        upper = v_hi0 + jnp.float32(FRAC_HI) * (v_hi1 - v_hi0)
        row_lo[...] = lower
        row_up[...] = upper
        pltpu.sync_copy(row_lo, lo_hbm.at[pl.ds(sample * LANES, LANES)])
        pltpu.sync_copy(row_up, up_hbm.at[pl.ds(sample * LANES, LANES)])


@functools.cache
def _sc_quantiles_call():
    return functools.partial(
        pl.kernel,
        out_type=[
            jax.ShapeDtypeStruct((B * LANES,), jnp.float32),
            jax.ShapeDtypeStruct((B * LANES,), jnp.float32),
        ],
        mesh=plsc.VectorSubcoreMesh(core_axis_name="c", subcore_axis_name="s",
                                    num_cores=2, num_subcores=16),
        compiler_params=pltpu.CompilerParams(needs_layout_passes=False),
        scratch_types=[
            pltpu.VMEM((CHUNK,), jnp.float32),
            pltpu.VMEM((CHUNK,), jnp.float32),
            pltpu.VMEM((NB,), jnp.int32),
            pltpu.VMEM((NB,), jnp.int32),
            pltpu.VMEM((NB,), jnp.int32),
            pltpu.VMEM((LANES,), jnp.float32),
            pltpu.VMEM((LANES,), jnp.float32),
            pltpu.VMEM_SHARED((16, NB), jnp.int32),
            pltpu.SemaphoreType.DMA,
            pltpu.SemaphoreType.DMA,
        ],
    )(_sc_body)


def _norm_kernel(lo_ref, up_ref, m_ref, o_ref):
    i = pl.program_id(0)
    lo = lo_ref[i * LANES]
    up = up_ref[i * LANES]
    rng = jnp.maximum(up - lo, jnp.float32(1e-6))
    o_ref[0] = jnp.clip((m_ref[0] - lo) / rng, 0.0, 1.0)


_norm_call = pl.pallas_call(
    _norm_kernel,
    grid=(B,),
    in_specs=[
        pl.BlockSpec((B * LANES,), lambda i: (0,), memory_space=pltpu.SMEM),
        pl.BlockSpec((B * LANES,), lambda i: (0,), memory_space=pltpu.SMEM),
        pl.BlockSpec((1, H, W), lambda i: (i, 0, 0)),
    ],
    out_specs=pl.BlockSpec((1, H, W), lambda i: (i, 0, 0)),
    out_shape=jax.ShapeDtypeStruct((B, H, W), jnp.float32),
)


def kernel(inputs):
    x = inputs.reshape(B, H, W * C)
    means, means_flat = _mean_call(x)
    lo, up = _sc_quantiles_call()(means_flat)
    out = _norm_call(lo, up, means)
    return out.reshape(B, H, W, 1)

# --- scband reference (transcript-rebuilt; emitter-appended) ---
"""Pipeline reference for scband-robust-contrast-normalization-65652870086685 (READ-ONLY COPY).

The authoritative reference and input builder live on the scoring server;
editing this copy changes nothing except your own understanding.
"""

import jax, jax.numpy as jnp
import numpy as np

LOWER_P = 10
UPPER_P = 90

def setup_inputs(seed: int = 0) -> dict:
    key = jax.random.key(seed)
    inputs = jax.random.normal(key, (16, 512, 512, 3), dtype=jnp.float32)
    return {"inputs": inputs}

def reference(inputs):
    # channel reduction if last dim != 1
    if inputs.shape[-1] != 1:
        x = jnp.mean(inputs, axis=-1, keepdims=True)
    else:
        x = inputs
    batch_size = x.shape[0]
    flat = x.reshape(batch_size, -1)
    lower_val = jnp.quantile(flat, LOWER_P / 100.0, axis=1, keepdims=True)
    upper_val = jnp.quantile(flat, UPPER_P / 100.0, axis=1, keepdims=True)
    lower_val = lower_val.reshape(batch_size, 1, 1, 1)
    upper_val = upper_val.reshape(batch_size, 1, 1, 1)
    range_val = jnp.maximum(upper_val - lower_val, 1e-06)
    x = (x - lower_val) / range_val
    x = jnp.clip(x, 0.0, 1.0)
    return x

if __name__ == "__main__":
    import jax
    _d = setup_inputs()
    print(jax.jit(kernel)(*tuple(_d.values())))

</pallas_src>

<mosaic_0001>
#map = affine_map<(d0, d1) -> (0)>
module attributes {stable_mosaic.version = 14 : i64} {
  func.func @_sc_body(%arg0: i32, %arg1: i32, %arg2: memref<4194304xf32, #tpu.memory_space<hbm>>, %arg3: memref<256xf32, #tpu.memory_space<hbm>>, %arg4: memref<256xf32, #tpu.memory_space<hbm>>, %arg5: memref<8192xf32, #tpu.memory_space<vmem>>, %arg6: memref<8192xf32, #tpu.memory_space<vmem>>, %arg7: memref<4096xi32, #tpu.memory_space<vmem>>, %arg8: memref<4096xi32, #tpu.memory_space<vmem>>, %arg9: memref<4096xi32, #tpu.memory_space<vmem>>, %arg10: memref<16xf32, #tpu.memory_space<vmem>>, %arg11: memref<16xf32, #tpu.memory_space<vmem>>, %arg12: memref<16x4096xi32, #tpu.memory_space<vmem_shared>>, %arg13: memref<!tpu.dma_semaphore, #tpu.memory_space<semaphore_mem>>, %arg14: memref<!tpu.dma_semaphore, #tpu.memory_space<semaphore_mem>>) attributes {dimension_semantics = [#tpu.dimension_semantics<core_parallel>, #tpu.dimension_semantics<subcore_parallel>], iteration_bounds = array<i64: 2, 16>, scalar_prefetch = 0 : i64, scratch_operands = 10 : i64, tpu.core_type = #tpu.core_type<sc_vector_subcore>, window_params = [{transform_indices = #map}, {transform_indices = #map}, {transform_indices = #map}]} {
    %mul3A = arith.constant 8 : i32
    %mul3A_0 = arith.muli %arg0, %mul3A : i32
    %rem3A = arith.constant 8 : i32
    %rem3A_1 = arith.remsi %arg1, %rem3A : i32
    %add3A = arith.addi %mul3A_0, %rem3A_1 : i32
    %div3A = arith.constant 8 : i32
    %div3A_2 = arith.divsi %arg1, %div3A : i32
    %mul3A_3 = arith.constant 8.000000e+00 : f32
    %mul3A_4 = arith.constant 2.560000e+02 : f32
    %mul3A_5 = arith.mulf %mul3A_3, %mul3A_4 : f32
    %parallel_loop3A = arith.constant 0 : i32
    %parallel_loop3A_6 = arith.constant 256 : i32
    %parallel_loop3A_7 = arith.constant 1 : i32
    scf.for %parallel_loop3A_38 = %parallel_loop3A to %parallel_loop3A_6 step %parallel_loop3A_7  : i32 {
      %parallel_loop3A_39 = arith.constant 0 : i32
      %parallel_loop3A_40 = vector.broadcast %parallel_loop3A_39 : i32 to vector<16xi32>
      %parallel_loop3A_41 = arith.constant 16 : i32
      %parallel_loop3A_42 = arith.muli %parallel_loop3A_38, %parallel_loop3A_41 : i32
      %parallel_loop3A_43 = arith.index_cast %parallel_loop3A_42 : i32 to index
      %parallel_loop3A_44 = tpu.vector_load %arg7[%parallel_loop3A_43] {strides = array<i32>} : memref<4096xi32, #tpu.memory_space<vmem>>, vector<16xi32>,
      tpu.vector_store %arg7[%parallel_loop3A_43], %parallel_loop3A_40 {strides = array<i32>} : memref<4096xi32, #tpu.memory_space<vmem>>, vector<16xi32>,
    } {sc.loop_unroll_factor = 8 : i64, sc.parallel_access}
    %broadcast_in_dim3A = arith.constant 1 : i32
    %broadcast_in_dim3A_8 = vector.broadcast %broadcast_in_dim3A : i32 to vector<16xi32>
    %mul3A_9 = arith.constant 131072 : i32
    %mul3A_10 = arith.muli %div3A_2, %mul3A_9 : i32
    %mul3A_11 = arith.constant 262144 : i32
    %mul3A_12 = arith.muli %add3A, %mul3A_11 : i32
    %add3A_13 = arith.addi %mul3A_12, %mul3A_10 : i32
    %add3A_14 = arith.constant 0 : i32
    %add3A_15 = arith.addi %add3A_13, %add3A_14 : i32
    %dma_start3A = tpu.memref_slice %arg2[%add3A_15] : memref<4194304xf32, #tpu.memory_space<hbm>> -> memref<8192xf32, #tpu.memory_space<hbm>>
    %dma_start3A_16 = tpu.memref_slice %arg2[%add3A_15] : memref<4194304xf32, #tpu.memory_space<hbm>> -> memref<8192xf32, #tpu.memory_space<hbm>>
    tpu.enqueue_dma source(%dma_start3A_16 : memref<8192xf32, #tpu.memory_space<hbm>>) target(%arg5 : memref<8192xf32, #tpu.memory_space<vmem>>) target_semaphore(%arg13 : memref<!tpu.dma_semaphore, #tpu.memory_space<semaphore_mem>>)
    %scan3A = arith.constant 2.560000e+02 : f32
    %scan3A_17 = arith.constant 0 : i32
    %scan3A_18 = arith.constant 0 : i32
    %scan3A_19 = arith.constant 8 : i32
    %scan3A_20 = arith.addi %scan3A_18, %scan3A_19 : i32
    %scan3A_21 = arith.constant 1 : i32
    %scan3A_22 = scf.for %scan3A_38 = %scan3A_18 to %scan3A_20 step %scan3A_21 iter_args(%scan3A_39 = %scan3A_17) -> (i32)  : i32 {
      %mul3A_40 = arith.constant 2 : i32
      %mul3A_41 = arith.muli %scan3A_38, %mul3A_40 : i32
      %add3A_42 = arith.constant 1 : i32
      %add3A_43 = arith.addi %mul3A_41, %add3A_42 : i32
      %mul3A_44 = arith.constant 262144 : i32
      %mul3A_45 = arith.muli %add3A, %mul3A_44 : i32
      %add3A_46 = arith.addi %mul3A_45, %mul3A_10 : i32
      %mul3A_47 = arith.constant 8192 : i32
      %mul3A_48 = arith.muli %add3A_43, %mul3A_47 : i32
      %add3A_49 = arith.addi %add3A_46, %mul3A_48 : i32
      %dma_start3A_50 = tpu.memref_slice %arg2[%add3A_49] : memref<4194304xf32, #tpu.memory_space<hbm>> -> memref<8192xf32, #tpu.memory_space<hbm>>
      %dma_start3A_51 = tpu.memref_slice %arg2[%add3A_49] : memref<4194304xf32, #tpu.memory_space<hbm>> -> memref<8192xf32, #tpu.memory_space<hbm>>
      tpu.enqueue_dma source(%dma_start3A_51 : memref<8192xf32, #tpu.memory_space<hbm>>) target(%arg6 : memref<8192xf32, #tpu.memory_space<vmem>>) target_semaphore(%arg14 : memref<!tpu.dma_semaphore, #tpu.memory_space<semaphore_mem>>)
      %mul3A_52 = arith.constant 262144 : i32
      %mul3A_53 = arith.muli %add3A, %mul3A_52 : i32
      %add3A_54 = arith.addi %mul3A_53, %mul3A_10 : i32
      %mul3A_55 = arith.constant 8192 : i32
      %mul3A_56 = arith.muli %mul3A_41, %mul3A_55 : i32
      %add3A_57 = arith.addi %add3A_54, %mul3A_56 : i32
      %dma_wait3A = tpu.memref_slice %arg2[%add3A_57] : memref<4194304xf32, #tpu.memory_space<hbm>> -> memref<8192xf32, #tpu.memory_space<hbm>>
      %dma_wait3A_58 = tpu.memref_slice %arg2[%add3A_57] : memref<4194304xf32, #tpu.memory_space<hbm>> -> memref<8192xf32, #tpu.memory_space<hbm>>
      tpu.wait_dma2 semaphore(%arg13 : memref<!tpu.dma_semaphore, #tpu.memory_space<semaphore_mem>>) src(%dma_wait3A_58 : memref<8192xf32, #tpu.memory_space<hbm>>) dst(%arg5 : memref<8192xf32, #tpu.memory_space<vmem>>)
      %parallel_loop3A_59 = arith.constant 0 : i32
      %parallel_loop3A_60 = arith.constant 512 : i32
      %parallel_loop3A_61 = arith.constant 1 : i32
      scf.for %parallel_loop3A_80 = %parallel_loop3A_59 to %parallel_loop3A_60 step %parallel_loop3A_61  : i32 {
        %parallel_loop3A_81 = arith.constant 16 : i32
        %parallel_loop3A_82 = arith.muli %parallel_loop3A_80, %parallel_loop3A_81 : i32
        %parallel_loop3A_83 = arith.index_cast %parallel_loop3A_82 : i32 to index
        %parallel_loop3A_84 = tpu.vector_load %arg5[%parallel_loop3A_83] {strides = array<i32>} : memref<8192xf32, #tpu.memory_space<vmem>>, vector<16xf32>,
        %parallel_loop3A_85 = vector.broadcast %scan3A : f32 to vector<16xf32>
        %parallel_loop3A_86 = arith.mulf %parallel_loop3A_84, %parallel_loop3A_85 : vector<16xf32>
        %parallel_loop3A_87 = vector.broadcast %mul3A_5 : f32 to vector<16xf32>
        %parallel_loop3A_88 = arith.addf %parallel_loop3A_86, %parallel_loop3A_87 : vector<16xf32>
        %parallel_loop3A_89 = arith.fptosi %parallel_loop3A_88 : vector<16xf32> to vector<16xi32>
        %parallel_loop3A_90 = arith.constant 0 : i32
        %parallel_loop3A_91 = arith.constant 4095 : i32
        %parallel_loop3A_92 = vector.broadcast %parallel_loop3A_90 : i32 to vector<16xi32>
        %parallel_loop3A_93 = arith.maxsi %parallel_loop3A_92, %parallel_loop3A_89 : vector<16xi32>
        %parallel_loop3A_94 = vector.broadcast %parallel_loop3A_91 : i32 to vector<16xi32>
        %parallel_loop3A_95 = arith.minsi %parallel_loop3A_94, %parallel_loop3A_93 : vector<16xi32>
        tpu.vector_store_idx %arg7[%parallel_loop3A_95], %broadcast_in_dim3A_8 {add = true} : memref<4096xi32, #tpu.memory_space<vmem>>[vector<16xi32>], vector<16xi32>,
      } {sc.loop_unroll_factor = 8 : i64, sc.parallel_access}
      %lt3A = arith.constant 7 : i32
      %lt3A_62 = arith.cmpi slt, %scan3A_38, %lt3A : i32
      %convert_element_type3A_63 = arith.extui %lt3A_62 : i1 to i32
      %cond3A_64 = arith.constant 0 : i32
      %cond3A_65 = arith.cmpi ne, %convert_element_type3A_63, %cond3A_64 : i32
      scf.if %cond3A_65 {
        %add3A_80 = arith.constant 2 : i32
        %add3A_81 = arith.addi %mul3A_41, %add3A_80 : i32
        %mul3A_82 = arith.constant 262144 : i32
        %mul3A_83 = arith.muli %add3A, %mul3A_82 : i32
        %add3A_84 = arith.addi %mul3A_83, %mul3A_10 : i32
        %mul3A_85 = arith.constant 8192 : i32
        %mul3A_86 = arith.muli %add3A_81, %mul3A_85 : i32
        %add3A_87 = arith.addi %add3A_84, %mul3A_86 : i32
        %dma_start3A_88 = tpu.memref_slice %arg2[%add3A_87] : memref<4194304xf32, #tpu.memory_space<hbm>> -> memref<8192xf32, #tpu.memory_space<hbm>>
        %dma_start3A_89 = tpu.memref_slice %arg2[%add3A_87] : memref<4194304xf32, #tpu.memory_space<hbm>> -> memref<8192xf32, #tpu.memory_space<hbm>>
        tpu.enqueue_dma source(%dma_start3A_89 : memref<8192xf32, #tpu.memory_space<hbm>>) target(%arg5 : memref<8192xf32, #tpu.memory_space<vmem>>) target_semaphore(%arg13 : memref<!tpu.dma_semaphore, #tpu.memory_space<semaphore_mem>>)
      } else {
      }
      %add3A_66 = arith.constant 1 : i32
      %add3A_67 = arith.addi %mul3A_41, %add3A_66 : i32
      %mul3A_68 = arith.constant 262144 : i32
      %mul3A_69 = arith.muli %add3A, %mul3A_68 : i32
      %add3A_70 = arith.addi %mul3A_69, %mul3A_10 : i32
      %mul3A_71 = arith.constant 8192 : i32
      %mul3A_72 = arith.muli %add3A_67, %mul3A_71 : i32
      %add3A_73 = arith.addi %add3A_70, %mul3A_72 : i32
      %dma_wait3A_74 = tpu.memref_slice %arg2[%add3A_73] : memref<4194304xf32, #tpu.memory_space<hbm>> -> memref<8192xf32, #tpu.memory_space<hbm>>
      %dma_wait3A_75 = tpu.memref_slice %arg2[%add3A_73] : memref<4194304xf32, #tpu.memory_space<hbm>> -> memref<8192xf32, #tpu.memory_space<hbm>>
      tpu.wait_dma2 semaphore(%arg14 : memref<!tpu.dma_semaphore, #tpu.memory_space<semaphore_mem>>) src(%dma_wait3A_75 : memref<8192xf32, #tpu.memory_space<hbm>>) dst(%arg6 : memref<8192xf32, #tpu.memory_space<vmem>>)
      %parallel_loop3A_76 = arith.constant 0 : i32
      %parallel_loop3A_77 = arith.constant 512 : i32
      %parallel_loop3A_78 = arith.constant 1 : i32
      scf.for %parallel_loop3A_80 = %parallel_loop3A_76 to %parallel_loop3A_77 step %parallel_loop3A_78  : i32 {
        %parallel_loop3A_81 = arith.constant 16 : i32
        %parallel_loop3A_82 = arith.muli %parallel_loop3A_80, %parallel_loop3A_81 : i32
        %parallel_loop3A_83 = arith.index_cast %parallel_loop3A_82 : i32 to index
        %parallel_loop3A_84 = tpu.vector_load %arg6[%parallel_loop3A_83] {strides = array<i32>} : memref<8192xf32, #tpu.memory_space<vmem>>, vector<16xf32>,
        %parallel_loop3A_85 = vector.broadcast %scan3A : f32 to vector<16xf32>
        %parallel_loop3A_86 = arith.mulf %parallel_loop3A_84, %parallel_loop3A_85 : vector<16xf32>
        %parallel_loop3A_87 = vector.broadcast %mul3A_5 : f32 to vector<16xf32>
        %parallel_loop3A_88 = arith.addf %parallel_loop3A_86, %parallel_loop3A_87 : vector<16xf32>
        %parallel_loop3A_89 = arith.fptosi %parallel_loop3A_88 : vector<16xf32> to vector<16xi32>
        %parallel_loop3A_90 = arith.constant 0 : i32
        %parallel_loop3A_91 = arith.constant 4095 : i32
        %parallel_loop3A_92 = vector.broadcast %parallel_loop3A_90 : i32 to vector<16xi32>
        %parallel_loop3A_93 = arith.maxsi %parallel_loop3A_92, %parallel_loop3A_89 : vector<16xi32>
        %parallel_loop3A_94 = vector.broadcast %parallel_loop3A_91 : i32 to vector<16xi32>
        %parallel_loop3A_95 = arith.minsi %parallel_loop3A_94, %parallel_loop3A_93 : vector<16xi32>
        tpu.vector_store_idx %arg7[%parallel_loop3A_95], %broadcast_in_dim3A_8 {add = true} : memref<4096xi32, #tpu.memory_space<vmem>>[vector<16xi32>], vector<16xi32>,
      } {sc.loop_unroll_factor = 8 : i64, sc.parallel_access}
      %scan3A_79 = arith.constant 0 : i32
      scf.yield %scan3A_79 : i32
    }
    %scan3A_23 = arith.constant 8 : i32
    "tpu.region"() ({
      %run_scoped3A = tpu.sem_alloc : memref<!tpu.dma_semaphore, #tpu.memory_space<semaphore_mem>>
      %dma_start3A_38 = arith.constant 0 : i32
      %dma_start3A_39 = tpu.memref_slice %arg12[%arg1, %dma_start3A_38] : memref<16x4096xi32, #tpu.memory_space<vmem_shared>> -> memref<1x4096xi32, #tpu.memory_space<vmem_shared>>
      %dma_start3A_40 = tpu.memref_squeeze %dma_start3A_39 : memref<1x4096xi32, #tpu.memory_space<vmem_shared>> -> memref<4096xi32, #tpu.memory_space<vmem_shared>>
      %dma_start3A_41 = arith.constant 0 : i32
      %dma_start3A_42 = tpu.memref_slice %arg12[%arg1, %dma_start3A_41] : memref<16x4096xi32, #tpu.memory_space<vmem_shared>> -> memref<1x4096xi32, #tpu.memory_space<vmem_shared>>
      %dma_start3A_43 = tpu.memref_squeeze %dma_start3A_42 : memref<1x4096xi32, #tpu.memory_space<vmem_shared>> -> memref<4096xi32, #tpu.memory_space<vmem_shared>>
      tpu.enqueue_dma source(%arg7 : memref<4096xi32, #tpu.memory_space<vmem>>) target(%dma_start3A_43 : memref<4096xi32, #tpu.memory_space<vmem_shared>>) target_semaphore(%run_scoped3A : memref<!tpu.dma_semaphore, #tpu.memory_space<semaphore_mem>>)
      %dma_wait3A = arith.constant 0 : i32
      %dma_wait3A_44 = tpu.memref_slice %arg12[%arg1, %dma_wait3A] : memref<16x4096xi32, #tpu.memory_space<vmem_shared>> -> memref<1x4096xi32, #tpu.memory_space<vmem_shared>>
      %dma_wait3A_45 = tpu.memref_squeeze %dma_wait3A_44 : memref<1x4096xi32, #tpu.memory_space<vmem_shared>> -> memref<4096xi32, #tpu.memory_space<vmem_shared>>
      %dma_wait3A_46 = arith.constant 0 : i32
      %dma_wait3A_47 = tpu.memref_slice %arg12[%arg1, %dma_wait3A_46] : memref<16x4096xi32, #tpu.memory_space<vmem_shared>> -> memref<1x4096xi32, #tpu.memory_space<vmem_shared>>
      %dma_wait3A_48 = tpu.memref_squeeze %dma_wait3A_47 : memref<1x4096xi32, #tpu.memory_space<vmem_shared>> -> memref<4096xi32, #tpu.memory_space<vmem_shared>>
      tpu.wait_dma2 semaphore(%run_scoped3A : memref<!tpu.dma_semaphore, #tpu.memory_space<semaphore_mem>>) src(%arg7 : memref<4096xi32, #tpu.memory_space<vmem>>) dst(%dma_wait3A_48 : memref<4096xi32, #tpu.memory_space<vmem_shared>>)
      tpu.yield
    }) : () -> ()
    %barrier3A = arith.constant 0 : index
    tpu.barrier barrier_id(%barrier3A)
    %add3A_24 = arith.constant 8 : i32
    %add3A_25 = arith.addi %arg1, %add3A_24 : i32
    %rem3A_26 = arith.constant 16 : i32
    %rem3A_27 = arith.remsi %add3A_25, %rem3A_26 : i32
    "tpu.region"() ({
      %run_scoped3A = tpu.sem_alloc : memref<!tpu.dma_semaphore, #tpu.memory_space<semaphore_mem>>
      %dma_start3A_38 = arith.constant 0 : i32
      %dma_start3A_39 = tpu.memref_slice %arg12[%rem3A_27, %dma_start3A_38] : memref<16x4096xi32, #tpu.memory_space<vmem_shared>> -> memref<1x4096xi32, #tpu.memory_space<vmem_shared>>
      %dma_start3A_40 = tpu.memref_squeeze %dma_start3A_39 : memref<1x4096xi32, #tpu.memory_space<vmem_shared>> -> memref<4096xi32, #tpu.memory_space<vmem_shared>>
      %dma_start3A_41 = arith.constant 0 : i32
      %dma_start3A_42 = tpu.memref_slice %arg12[%rem3A_27, %dma_start3A_41] : memref<16x4096xi32, #tpu.memory_space<vmem_shared>> -> memref<1x4096xi32, #tpu.memory_space<vmem_shared>>
      %dma_start3A_43 = tpu.memref_squeeze %dma_start3A_42 : memref<1x4096xi32, #tpu.memory_space<vmem_shared>> -> memref<4096xi32, #tpu.memory_space<vmem_shared>>
      tpu.enqueue_dma source(%dma_start3A_43 : memref<4096xi32, #tpu.memory_space<vmem_shared>>) target(%arg9 : memref<4096xi32, #tpu.memory_space<vmem>>) target_semaphore(%run_scoped3A : memref<!tpu.dma_semaphore, #tpu.memory_space<semaphore_mem>>)
      %dma_wait3A = arith.constant 0 : i32
      %dma_wait3A_44 = tpu.memref_slice %arg12[%rem3A_27, %dma_wait3A] : memref<16x4096xi32, #tpu.memory_space<vmem_shared>> -> memref<1x4096xi32, #tpu.memory_space<vmem_shared>>
      %dma_wait3A_45 = tpu.memref_squeeze %dma_wait3A_44 : memref<1x4096xi32, #tpu.memory_space<vmem_shared>> -> memref<4096xi32, #tpu.memory_space<vmem_shared>>
      %dma_wait3A_46 = arith.constant 0 : i32
      %dma_wait3A_47 = tpu.memref_slice %arg12[%rem3A_27, %dma_wait3A_46] : memref<16x4096xi32, #tpu.memory_space<vmem_shared>> -> memref<1x4096xi32, #tpu.memory_space<vmem_shared>>
      %dma_wait3A_48 = tpu.memref_squeeze %dma_wait3A_47 : memref<1x4096xi32, #tpu.memory_space<vmem_shared>> -> memref<4096xi32, #tpu.memory_space<vmem_shared>>
      tpu.wait_dma2 semaphore(%run_scoped3A : memref<!tpu.dma_semaphore, #tpu.memory_space<semaphore_mem>>) src(%dma_wait3A_48 : memref<4096xi32, #tpu.memory_space<vmem_shared>>) dst(%arg9 : memref<4096xi32, #tpu.memory_space<vmem>>)
      tpu.yield
    }) : () -> ()
    %broadcast_in_dim3A_28 = arith.constant 0 : i32
    %broadcast_in_dim3A_29 = vector.broadcast %broadcast_in_dim3A_28 : i32 to vector<16xi32>
    %parallel_loop3A_30 = arith.constant 0 : i32
    %parallel_loop3A_31 = arith.constant 256 : i32
    %parallel_loop3A_32 = arith.constant 1 : i32
    %parallel_loop3A_33 = scf.for %parallel_loop3A_38 = %parallel_loop3A_30 to %parallel_loop3A_31 step %parallel_loop3A_32 iter_args(%parallel_loop3A_39 = %broadcast_in_dim3A_29) -> (vector<16xi32>)  : i32 {
      %parallel_loop3A_40 = arith.constant 16 : i32
      %parallel_loop3A_41 = arith.muli %parallel_loop3A_38, %parallel_loop3A_40 : i32
      %parallel_loop3A_42 = arith.index_cast %parallel_loop3A_41 : i32 to index
      %parallel_loop3A_43 = tpu.vector_load %arg7[%parallel_loop3A_42] {strides = array<i32>} : memref<4096xi32, #tpu.memory_space<vmem>>, vector<16xi32>,
      %parallel_loop3A_44 = arith.index_cast %parallel_loop3A_41 : i32 to index
      %parallel_loop3A_45 = tpu.vector_load %arg9[%parallel_loop3A_44] {strides = array<i32>} : memref<4096xi32, #tpu.memory_space<vmem>>, vector<16xi32>,
      %parallel_loop3A_46 = arith.addi %parallel_loop3A_43, %parallel_loop3A_45 : vector<16xi32>
      %parallel_loop3A_47 = arith.index_cast %parallel_loop3A_41 : i32 to index
      %parallel_loop3A_48 = tpu.vector_load %arg7[%parallel_loop3A_47] {strides = array<i32>} : memref<4096xi32, #tpu.memory_space<vmem>>, vector<16xi32>,
      tpu.vector_store %arg7[%parallel_loop3A_47], %parallel_loop3A_46 {strides = array<i32>} : memref<4096xi32, #tpu.memory_space<vmem>>, vector<16xi32>,
      %parallel_loop3A_49 = arith.constant true
      %parallel_loop3A_50 = vector.broadcast %parallel_loop3A_49 : i1 to vector<16xi1>
      %parallel_loop3A_51 = tpu.scan <sum>, %parallel_loop3A_46 masked %parallel_loop3A_50 : vector<16xi32>, vector<16xi1> -> vector<16xi32>
      %parallel_loop3A_52 = arith.addi %parallel_loop3A_39, %parallel_loop3A_51 : vector<16xi32>
      %parallel_loop3A_53 = arith.index_cast %parallel_loop3A_41 : i32 to index
      %parallel_loop3A_54 = tpu.vector_load %arg8[%parallel_loop3A_53] {strides = array<i32>} : memref<4096xi32, #tpu.memory_space<vmem>>, vector<16xi32>,
      tpu.vector_store %arg8[%parallel_loop3A_53], %parallel_loop3A_52 {strides = array<i32>} : memref<4096xi32, #tpu.memory_space<vmem>>, vector<16xi32>,
      %parallel_loop3A_55 = arith.constant true
      %parallel_loop3A_56 = vector.broadcast %parallel_loop3A_55 : i1 to vector<16xi1>
      %parallel_loop3A_57 = tpu.scan <sum>, %parallel_loop3A_46 masked %parallel_loop3A_56 : vector<16xi32>, vector<16xi1> -> vector<16xi32>
      %parallel_loop3A_58 = vector.extract %parallel_loop3A_57[15] : i32 from vector<16xi32>
      %parallel_loop3A_59 = vector.broadcast %parallel_loop3A_58 : i32 to vector<16xi32>
      %parallel_loop3A_60 = arith.addi %parallel_loop3A_39, %parallel_loop3A_59 : vector<16xi32>
      scf.yield %parallel_loop3A_60 : vector<16xi32>
    } {sc.loop_unroll_factor = 4 : i64, sc.parallel_access}
    %eq3A = arith.constant 0 : i32
    %eq3A_34 = arith.cmpi eq, %div3A_2, %eq3A : i32
    %convert_element_type3A = arith.extui %eq3A_34 : i1 to i32
    %cond3A = arith.constant 3.906250e-03 : f32
    %cond3A_35 = arith.constant -8.000000e+00 : f32
    %cond3A_36 = arith.constant 0 : i32
    %cond3A_37 = arith.cmpi ne, %convert_element_type3A, %cond3A_36 : i32
    scf.if %cond3A_37 {
      %broadcast_in_dim3A_38 = arith.constant 0 : i32
      %broadcast_in_dim3A_39 = vector.broadcast %broadcast_in_dim3A_38 : i32 to vector<16xi32>
      %parallel_loop3A_40 = arith.constant 0 : i32
      %parallel_loop3A_41 = arith.constant 256 : i32
      %parallel_loop3A_42 = arith.constant 1 : i32
      %parallel_loop3A_43:4 = scf.for %parallel_loop3A_131 = %parallel_loop3A_40 to %parallel_loop3A_41 step %parallel_loop3A_42 iter_args(%parallel_loop3A_132 = %broadcast_in_dim3A_39, %parallel_loop3A_133 = %broadcast_in_dim3A_39, %parallel_loop3A_134 = %broadcast_in_dim3A_39, %parallel_loop3A_135 = %broadcast_in_dim3A_39) -> (vector<16xi32>, vector<16xi32>, vector<16xi32>, vector<16xi32>)  : i32 {
        %parallel_loop3A_136 = arith.constant 16 : i32
        %parallel_loop3A_137 = arith.muli %parallel_loop3A_131, %parallel_loop3A_136 : i32
        %parallel_loop3A_138 = arith.index_cast %parallel_loop3A_137 : i32 to index
        %parallel_loop3A_139 = tpu.vector_load %arg8[%parallel_loop3A_138] {strides = array<i32>} : memref<4096xi32, #tpu.memory_space<vmem>>, vector<16xi32>,
        %parallel_loop3A_140 = arith.constant 26214 : i32
        %parallel_loop3A_141 = vector.broadcast %parallel_loop3A_140 : i32 to vector<16xi32>
        %parallel_loop3A_142 = arith.cmpi sle, %parallel_loop3A_139, %parallel_loop3A_141 : vector<16xi32>
        %parallel_loop3A_143 = tpu.all_reduce %parallel_loop3A_142 {dim = 0 : i64, kind = #tpu.reduction_kind<sum>} : vector<16xi1> -> vector<16xi32>
        %parallel_loop3A_144 = arith.addi %parallel_loop3A_132, %parallel_loop3A_143 : vector<16xi32>
        %parallel_loop3A_145 = arith.constant 26215 : i32
        %parallel_loop3A_146 = vector.broadcast %parallel_loop3A_145 : i32 to vector<16xi32>
        %parallel_loop3A_147 = arith.cmpi sle, %parallel_loop3A_139, %parallel_loop3A_146 : vector<16xi32>
        %parallel_loop3A_148 = tpu.all_reduce %parallel_loop3A_147 {dim = 0 : i64, kind = #tpu.reduction_kind<sum>} : vector<16xi1> -> vector<16xi32>
        %parallel_loop3A_149 = arith.addi %parallel_loop3A_133, %parallel_loop3A_148 : vector<16xi32>
        %parallel_loop3A_150 = arith.constant 235928 : i32
        %parallel_loop3A_151 = vector.broadcast %parallel_loop3A_150 : i32 to vector<16xi32>
        %parallel_loop3A_152 = arith.cmpi sle, %parallel_loop3A_139, %parallel_loop3A_151 : vector<16xi32>
        %parallel_loop3A_153 = tpu.all_reduce %parallel_loop3A_152 {dim = 0 : i64, kind = #tpu.reduction_kind<sum>} : vector<16xi1> -> vector<16xi32>
        %parallel_loop3A_154 = arith.addi %parallel_loop3A_134, %parallel_loop3A_153 : vector<16xi32>
        %parallel_loop3A_155 = arith.constant 235929 : i32
        %parallel_loop3A_156 = vector.broadcast %parallel_loop3A_155 : i32 to vector<16xi32>
        %parallel_loop3A_157 = arith.cmpi sle, %parallel_loop3A_139, %parallel_loop3A_156 : vector<16xi32>
        %parallel_loop3A_158 = tpu.all_reduce %parallel_loop3A_157 {dim = 0 : i64, kind = #tpu.reduction_kind<sum>} : vector<16xi1> -> vector<16xi32>
        %parallel_loop3A_159 = arith.addi %parallel_loop3A_135, %parallel_loop3A_158 : vector<16xi32>
        scf.yield %parallel_loop3A_144, %parallel_loop3A_149, %parallel_loop3A_154, %parallel_loop3A_159 : vector<16xi32>, vector<16xi32>, vector<16xi32>, vector<16xi32>
      } {sc.loop_unroll_factor = 4 : i64, sc.parallel_access}
      %gather3A = tpu.vector_load_idx %arg7[%parallel_loop3A_43#0] : memref<4096xi32, #tpu.memory_space<vmem>>[vector<16xi32>], vector<16xi32>,
      %gather3A_44 = tpu.vector_load_idx %arg8[%parallel_loop3A_43#0] : memref<4096xi32, #tpu.memory_space<vmem>>[vector<16xi32>], vector<16xi32>,
      %sub3A = arith.subi %gather3A_44, %gather3A : vector<16xi32>
      %convert_element_type3A_45 = arith.sitofp %sub3A : vector<16xi32> to vector<16xf32>
      %sub3A_46 = arith.constant 2.621400e+04 : f32
      %sub3A_47 = vector.broadcast %sub3A_46 : f32 to vector<16xf32>
      %sub3A_48 = arith.subf %sub3A_47, %convert_element_type3A_45 : vector<16xf32>
      %add3A_49 = arith.constant 5.000000e-01 : f32
      %add3A_50 = vector.broadcast %add3A_49 : f32 to vector<16xf32>
      %add3A_51 = arith.addf %sub3A_48, %add3A_50 : vector<16xf32>
      %convert_element_type3A_52 = arith.sitofp %gather3A : vector<16xi32> to vector<16xf32>
      %div3A_53 = arith.divf %add3A_51, %convert_element_type3A_52 : vector<16xf32>
      %convert_element_type3A_54 = arith.sitofp %parallel_loop3A_43#0 : vector<16xi32> to vector<16xf32>
      %add3A_55 = arith.addf %convert_element_type3A_54, %div3A_53 : vector<16xf32>
      %mul3A_56 = vector.broadcast %cond3A : f32 to vector<16xf32>
      %mul3A_57 = arith.mulf %mul3A_56, %add3A_55 : vector<16xf32>
      %add3A_58 = vector.broadcast %cond3A_35 : f32 to vector<16xf32>
      %add3A_59 = arith.addf %add3A_58, %mul3A_57 : vector<16xf32>
      %gather3A_60 = tpu.vector_load_idx %arg7[%parallel_loop3A_43#1] : memref<4096xi32, #tpu.memory_space<vmem>>[vector<16xi32>], vector<16xi32>,
      %gather3A_61 = tpu.vector_load_idx %arg8[%parallel_loop3A_43#1] : memref<4096xi32, #tpu.memory_space<vmem>>[vector<16xi32>], vector<16xi32>,
      %sub3A_62 = arith.subi %gather3A_61, %gather3A_60 : vector<16xi32>
      %convert_element_type3A_63 = arith.sitofp %sub3A_62 : vector<16xi32> to vector<16xf32>
      %sub3A_64 = arith.constant 2.621500e+04 : f32
      %sub3A_65 = vector.broadcast %sub3A_64 : f32 to vector<16xf32>
      %sub3A_66 = arith.subf %sub3A_65, %convert_element_type3A_63 : vector<16xf32>
      %add3A_67 = arith.constant 5.000000e-01 : f32
      %add3A_68 = vector.broadcast %add3A_67 : f32 to vector<16xf32>
      %add3A_69 = arith.addf %sub3A_66, %add3A_68 : vector<16xf32>
      %convert_element_type3A_70 = arith.sitofp %gather3A_60 : vector<16xi32> to vector<16xf32>
      %div3A_71 = arith.divf %add3A_69, %convert_element_type3A_70 : vector<16xf32>
      %convert_element_type3A_72 = arith.sitofp %parallel_loop3A_43#1 : vector<16xi32> to vector<16xf32>
      %add3A_73 = arith.addf %convert_element_type3A_72, %div3A_71 : vector<16xf32>
      %mul3A_74 = vector.broadcast %cond3A : f32 to vector<16xf32>
      %mul3A_75 = arith.mulf %mul3A_74, %add3A_73 : vector<16xf32>
      %add3A_76 = vector.broadcast %cond3A_35 : f32 to vector<16xf32>
      %add3A_77 = arith.addf %add3A_76, %mul3A_75 : vector<16xf32>
      %gather3A_78 = tpu.vector_load_idx %arg7[%parallel_loop3A_43#2] : memref<4096xi32, #tpu.memory_space<vmem>>[vector<16xi32>], vector<16xi32>,
      %gather3A_79 = tpu.vector_load_idx %arg8[%parallel_loop3A_43#2] : memref<4096xi32, #tpu.memory_space<vmem>>[vector<16xi32>], vector<16xi32>,
      %sub3A_80 = arith.subi %gather3A_79, %gather3A_78 : vector<16xi32>
      %convert_element_type3A_81 = arith.sitofp %sub3A_80 : vector<16xi32> to vector<16xf32>
      %sub3A_82 = arith.constant 2.359280e+05 : f32
      %sub3A_83 = vector.broadcast %sub3A_82 : f32 to vector<16xf32>
      %sub3A_84 = arith.subf %sub3A_83, %convert_element_type3A_81 : vector<16xf32>
      %add3A_85 = arith.constant 5.000000e-01 : f32
      %add3A_86 = vector.broadcast %add3A_85 : f32 to vector<16xf32>
      %add3A_87 = arith.addf %sub3A_84, %add3A_86 : vector<16xf32>
      %convert_element_type3A_88 = arith.sitofp %gather3A_78 : vector<16xi32> to vector<16xf32>
      %div3A_89 = arith.divf %add3A_87, %convert_element_type3A_88 : vector<16xf32>
      %convert_element_type3A_90 = arith.sitofp %parallel_loop3A_43#2 : vector<16xi32> to vector<16xf32>
      %add3A_91 = arith.addf %convert_element_type3A_90, %div3A_89 : vector<16xf32>
      %mul3A_92 = vector.broadcast %cond3A : f32 to vector<16xf32>
      %mul3A_93 = arith.mulf %mul3A_92, %add3A_91 : vector<16xf32>
      %add3A_94 = vector.broadcast %cond3A_35 : f32 to vector<16xf32>
      %add3A_95 = arith.addf %add3A_94, %mul3A_93 : vector<16xf32>
      %gather3A_96 = tpu.vector_load_idx %arg7[%parallel_loop3A_43#3] : memref<4096xi32, #tpu.memory_space<vmem>>[vector<16xi32>], vector<16xi32>,
      %gather3A_97 = tpu.vector_load_idx %arg8[%parallel_loop3A_43#3] : memref<4096xi32, #tpu.memory_space<vmem>>[vector<16xi32>], vector<16xi32>,
      %sub3A_98 = arith.subi %gather3A_97, %gather3A_96 : vector<16xi32>
      %convert_element_type3A_99 = arith.sitofp %sub3A_98 : vector<16xi32> to vector<16xf32>
      %sub3A_100 = arith.constant 2.359290e+05 : f32
      %sub3A_101 = vector.broadcast %sub3A_100 : f32 to vector<16xf32>
      %sub3A_102 = arith.subf %sub3A_101, %convert_element_type3A_99 : vector<16xf32>
      %add3A_103 = arith.constant 5.000000e-01 : f32
      %add3A_104 = vector.broadcast %add3A_103 : f32 to vector<16xf32>
      %add3A_105 = arith.addf %sub3A_102, %add3A_104 : vector<16xf32>
      %convert_element_type3A_106 = arith.sitofp %gather3A_96 : vector<16xi32> to vector<16xf32>
      %div3A_107 = arith.divf %add3A_105, %convert_element_type3A_106 : vector<16xf32>
      %convert_element_type3A_108 = arith.sitofp %parallel_loop3A_43#3 : vector<16xi32> to vector<16xf32>
      %add3A_109 = arith.addf %convert_element_type3A_108, %div3A_107 : vector<16xf32>
      %mul3A_110 = vector.broadcast %cond3A : f32 to vector<16xf32>
      %mul3A_111 = arith.mulf %mul3A_110, %add3A_109 : vector<16xf32>
      %add3A_112 = vector.broadcast %cond3A_35 : f32 to vector<16xf32>
      %add3A_113 = arith.addf %add3A_112, %mul3A_111 : vector<16xf32>
      %sub3A_114 = arith.subf %add3A_77, %add3A_59 : vector<16xf32>
      %mul3A_115 = arith.constant 3.000000e-01 : f32
      %mul3A_116 = vector.broadcast %mul3A_115 : f32 to vector<16xf32>
      %mul3A_117 = arith.mulf %mul3A_116, %sub3A_114 : vector<16xf32>
      %add3A_118 = arith.addf %add3A_59, %mul3A_117 : vector<16xf32>
      %sub3A_119 = arith.subf %add3A_113, %add3A_95 : vector<16xf32>
      %mul3A_120 = arith.constant 0.699999988 : f32
      %mul3A_121 = vector.broadcast %mul3A_120 : f32 to vector<16xf32>
      %mul3A_122 = arith.mulf %mul3A_121, %sub3A_119 : vector<16xf32>
      %add3A_123 = arith.addf %add3A_95, %mul3A_122 : vector<16xf32>
      %swap3A = arith.constant 0 : index
      %swap3A_124 = tpu.vector_load %arg10[%swap3A] {strides = array<i32>} : memref<16xf32, #tpu.memory_space<vmem>>, vector<16xf32>,
      tpu.vector_store %arg10[%swap3A], %add3A_118 {strides = array<i32>} : memref<16xf32, #tpu.memory_space<vmem>>, vector<16xf32>,
      %swap3A_125 = arith.constant 0 : index
      %swap3A_126 = tpu.vector_load %arg11[%swap3A_125] {strides = array<i32>} : memref<16xf32, #tpu.memory_space<vmem>>, vector<16xf32>,
      tpu.vector_store %arg11[%swap3A_125], %add3A_123 {strides = array<i32>} : memref<16xf32, #tpu.memory_space<vmem>>, vector<16xf32>,
      %mul3A_127 = arith.constant 16 : i32
      %mul3A_128 = arith.muli %add3A, %mul3A_127 : i32
      "tpu.region"() ({
        %run_scoped3A = tpu.sem_alloc : memref<!tpu.dma_semaphore, #tpu.memory_space<semaphore_mem>>
        %dma_start3A_131 = tpu.memref_slice %arg3[%mul3A_128] : memref<256xf32, #tpu.memory_space<hbm>> -> memref<16xf32, #tpu.memory_space<hbm>>
        %dma_start3A_132 = tpu.memref_slice %arg3[%mul3A_128] : memref<256xf32, #tpu.memory_space<hbm>> -> memref<16xf32, #tpu.memory_space<hbm>>
        tpu.enqueue_dma source(%arg10 : memref<16xf32, #tpu.memory_space<vmem>>) target(%dma_start3A_132 : memref<16xf32, #tpu.memory_space<hbm>>) target_semaphore(%run_scoped3A : memref<!tpu.dma_semaphore, #tpu.memory_space<semaphore_mem>>)
        %dma_wait3A = tpu.memref_slice %arg3[%mul3A_128] : memref<256xf32, #tpu.memory_space<hbm>> -> memref<16xf32, #tpu.memory_space<hbm>>
        %dma_wait3A_133 = tpu.memref_slice %arg3[%mul3A_128] : memref<256xf32, #tpu.memory_space<hbm>> -> memref<16xf32, #tpu.memory_space<hbm>>
        tpu.wait_dma2 semaphore(%run_scoped3A : memref<!tpu.dma_semaphore, #tpu.memory_space<semaphore_mem>>) src(%arg10 : memref<16xf32, #tpu.memory_space<vmem>>) dst(%dma_wait3A_133 : memref<16xf32, #tpu.memory_space<hbm>>)
        tpu.yield
      }) : () -> ()
      %mul3A_129 = arith.constant 16 : i32
      %mul3A_130 = arith.muli %add3A, %mul3A_129 : i32
      "tpu.region"() ({
        %run_scoped3A = tpu.sem_alloc : memref<!tpu.dma_semaphore, #tpu.memory_space<semaphore_mem>>
        %dma_start3A_131 = tpu.memref_slice %arg4[%mul3A_130] : memref<256xf32, #tpu.memory_space<hbm>> -> memref<16xf32, #tpu.memory_space<hbm>>
        %dma_start3A_132 = tpu.memref_slice %arg4[%mul3A_130] : memref<256xf32, #tpu.memory_space<hbm>> -> memref<16xf32, #tpu.memory_space<hbm>>
        tpu.enqueue_dma source(%arg11 : memref<16xf32, #tpu.memory_space<vmem>>) target(%dma_start3A_132 : memref<16xf32, #tpu.memory_space<hbm>>) target_semaphore(%run_scoped3A : memref<!tpu.dma_semaphore, #tpu.memory_space<semaphore_mem>>)
        %dma_wait3A = tpu.memref_slice %arg4[%mul3A_130] : memref<256xf32, #tpu.memory_space<hbm>> -> memref<16xf32, #tpu.memory_space<hbm>>
        %dma_wait3A_133 = tpu.memref_slice %arg4[%mul3A_130] : memref<256xf32, #tpu.memory_space<hbm>> -> memref<16xf32, #tpu.memory_space<hbm>>
        tpu.wait_dma2 semaphore(%run_scoped3A : memref<!tpu.dma_semaphore, #tpu.memory_space<semaphore_mem>>) src(%arg11 : memref<16xf32, #tpu.memory_space<vmem>>) dst(%dma_wait3A_133 : memref<16xf32, #tpu.memory_space<hbm>>)
        tpu.yield
      }) : () -> ()
    } else {
    }
    return
  }
}

module attributes {stable_mosaic.version = 14 : i64} {
  func.func @_norm_kernel(%arg0: i32, %arg1: memref<256xf32, #tpu.memory_space<smem>>, %arg2: memref<256xf32, #tpu.memory_space<smem>>, %arg3: memref<1x512x512xf32, #tpu.memory_space<vmem>>, %arg4: memref<1x512x512xf32, #tpu.memory_space<vmem>>) attributes {dimension_semantics = [#tpu.dimension_semantics<arbitrary>], iteration_bounds = array<i64: 16>, scalar_prefetch = 0 : i64, scratch_operands = 0 : i64, tpu.core_type = #tpu.core_type<tc>, window_params = [{transform_indices = @transform_0, window_bounds = array<i64: 256>}, {transform_indices = @transform_1, window_bounds = array<i64: 256>}, {transform_indices = @transform_2, window_bounds = array<i64: 1, 512, 512>}, {transform_indices = @transform_3, window_bounds = array<i64: 1, 512, 512>}]} {
    %mul3A = arith.constant 16 : i32
    %mul3A_0 = arith.muli %arg0, %mul3A : i32
    %get3A = arith.index_cast %mul3A_0 : i32 to index
    %get3A_1 = memref.load %arg1[%get3A] : memref<256xf32, #tpu.memory_space<smem>>
    %mul3A_2 = arith.constant 16 : i32
    %mul3A_3 = arith.muli %arg0, %mul3A_2 : i32
    %get3A_4 = arith.index_cast %mul3A_3 : i32 to index
    %get3A_5 = memref.load %arg2[%get3A_4] : memref<256xf32, #tpu.memory_space<smem>>
    %sub3A = arith.subf %get3A_5, %get3A_1 : f32
    %max3A = arith.constant 9.99999997E-7 : f32
    %max3A_6 = arith.maximumf %sub3A, %max3A : f32
    %get3A_7 = arith.constant 0 : index
    %get3A_8 = arith.constant 0 : index
    %get3A_9 = arith.constant 0 : index
    %get3A_10 = vector.load %arg3[%get3A_7, %get3A_8, %get3A_9] : memref<1x512x512xf32, #tpu.memory_space<vmem>>, vector<1x512x512xf32>
    %get3A_11 = vector.shape_cast %get3A_10 : vector<1x512x512xf32> to vector<512x512xf32>
    %sub3A_12 = vector.broadcast %get3A_1 : f32 to vector<512x512xf32>
    %sub3A_13 = arith.subf %get3A_11, %sub3A_12 : vector<512x512xf32>
    %div3A = vector.broadcast %max3A_6 : f32 to vector<512x512xf32>
    %div3A_14 = arith.divf %sub3A_13, %div3A : vector<512x512xf32>
    %jit3A = arith.constant 0.000000e+00 : f32
    %jit3A_15 = arith.constant 1.000000e+00 : f32
    %max3A_16 = vector.broadcast %jit3A : f32 to vector<512x512xf32>
    %max3A_17 = arith.maximumf %max3A_16, %div3A_14 : vector<512x512xf32>
    %min3A = vector.broadcast %jit3A_15 : f32 to vector<512x512xf32>
    %min3A_18 = arith.minimumf %min3A, %max3A_17 : vector<512x512xf32>
    %swap3A = arith.constant 0 : index
    %swap3A_19 = arith.constant 0 : index
    %swap3A_20 = arith.constant 0 : index
    %swap3A_21 = vector.load %arg4[%swap3A, %swap3A_19, %swap3A_20] : memref<1x512x512xf32, #tpu.memory_space<vmem>>, vector<1x512x512xf32>
    %swap3A_22 = vector.shape_cast %swap3A_21 : vector<1x512x512xf32> to vector<512x512xf32>
    %swap3A_23 = vector.shape_cast %min3A_18 : vector<512x512xf32> to vector<1x512x512xf32>
    tpu.vector_store %arg4[%swap3A, %swap3A_19, %swap3A_20], %swap3A_23 {strides = array<i32>} : memref<1x512x512xf32, #tpu.memory_space<vmem>>, vector<1x512x512xf32>,
    return
  }
  func.func @transform_0(%arg0: i32) -> i32 {
    %c0_i32 = arith.constant 0 : i32
    %c0_i32_0 = arith.constant 0 : i32
    return %c0_i32 : i32
  }
  func.func @transform_1(%arg0: i32) -> i32 {
    %c0_i32 = arith.constant 0 : i32
    %c0_i32_0 = arith.constant 0 : i32
    return %c0_i32 : i32
  }
  func.func @transform_2(%arg0: i32) -> (i32, i32, i32) {
    %c0_i32 = arith.constant 0 : i32
    %c0_i32_0 = arith.constant 0 : i32
    %c0_i32_1 = arith.constant 0 : i32
    return %arg0, %c0_i32, %c0_i32_0 : i32, i32, i32
  }
  func.func @transform_3(%arg0: i32) -> (i32, i32, i32) {
    %c0_i32 = arith.constant 0 : i32
    %c0_i32_0 = arith.constant 0 : i32
    %c0_i32_1 = arith.constant 0 : i32
    return %arg0, %c0_i32, %c0_i32_0 : i32, i32, i32
  }
}

module attributes {stable_mosaic.version = 14 : i64} {
  func.func @_mean_minmax_kernel(%arg0: i32, %arg1: memref<1x512x1536xf32, #tpu.memory_space<vmem>>, %arg2: memref<1x512x512xf32, #tpu.memory_space<vmem>>, %arg3: memref<262144xf32, #tpu.memory_space<vmem>>) attributes {dimension_semantics = [#tpu.dimension_semantics<arbitrary>], iteration_bounds = array<i64: 16>, scalar_prefetch = 0 : i64, scratch_operands = 0 : i64, tpu.core_type = #tpu.core_type<tc>, window_params = [{transform_indices = @transform_0, window_bounds = array<i64: 1, 512, 1536>}, {transform_indices = @transform_1, window_bounds = array<i64: 1, 512, 512>}, {transform_indices = @transform_2, window_bounds = array<i64: 262144>}]} {
    %get3A = arith.constant 0 : index
    %get3A_0 = arith.constant 0 : index
    %get3A_1 = arith.constant 0 : index
    %get3A_2 = vector.load %arg1[%get3A, %get3A_0, %get3A_1] : memref<1x512x1536xf32, #tpu.memory_space<vmem>>, vector<1x512x1536xf32>
    %get3A_3 = vector.shape_cast %get3A_2 : vector<1x512x1536xf32> to vector<512x1536xf32>
    %iota3A = tpu.iota {dimensions = array<i32: 0>} : vector<1536x512xi32>
    %iota3A_4 = tpu.iota {dimensions = array<i32: 1>} : vector<1536x512xi32>
    %jit3A = arith.constant 3 : i32
    %div3A = vector.broadcast %jit3A : i32 to vector<1536x512xi32>
    %div3A_5 = arith.divsi %iota3A, %div3A : vector<1536x512xi32>
    %sign3A = arith.constant 0 : i32
    %sign3A_6 = vector.broadcast %sign3A : i32 to vector<1536x512xi32>
    %sign3A_7 = arith.cmpi sgt, %iota3A, %sign3A_6 : vector<1536x512xi32>
    %sign3A_8 = arith.extui %sign3A_7 : vector<1536x512xi1> to vector<1536x512xi32>
    %sign3A_9 = arith.constant 0 : i32
    %sign3A_10 = vector.broadcast %sign3A_9 : i32 to vector<1536x512xi32>
    %sign3A_11 = arith.cmpi slt, %iota3A, %sign3A_10 : vector<1536x512xi32>
    %sign3A_12 = arith.extui %sign3A_11 : vector<1536x512xi1> to vector<1536x512xi32>
    %sign3A_13 = arith.subi %sign3A_8, %sign3A_12 : vector<1536x512xi32>
    %sign3A_14 = arith.constant 0 : i32
    %sign3A_15 = arith.cmpi sgt, %jit3A, %sign3A_14 : i32
    %sign3A_16 = arith.extui %sign3A_15 : i1 to i32
    %sign3A_17 = arith.constant 0 : i32
    %sign3A_18 = arith.cmpi slt, %jit3A, %sign3A_17 : i32
    %sign3A_19 = arith.extui %sign3A_18 : i1 to i32
    %sign3A_20 = arith.subi %sign3A_16, %sign3A_19 : i32
    %ne3A = vector.broadcast %sign3A_20 : i32 to vector<1536x512xi32>
    %ne3A_21 = arith.cmpi ne, %sign3A_13, %ne3A : vector<1536x512xi32>
    %rem3A = vector.broadcast %jit3A : i32 to vector<1536x512xi32>
    %rem3A_22 = arith.remsi %iota3A, %rem3A : vector<1536x512xi32>
    %ne3A_23 = arith.constant 0 : i32
    %ne3A_24 = vector.broadcast %ne3A_23 : i32 to vector<1536x512xi32>
    %ne3A_25 = arith.cmpi ne, %rem3A_22, %ne3A_24 : vector<1536x512xi32>
    %and3A = arith.andi %ne3A_21, %ne3A_25 : vector<1536x512xi1>
    %sub3A = arith.constant 1 : i32
    %sub3A_26 = vector.broadcast %sub3A : i32 to vector<1536x512xi32>
    %sub3A_27 = arith.subi %div3A_5, %sub3A_26 : vector<1536x512xi32>
    %select_n3A = arith.select %and3A, %sub3A_27, %div3A_5 : vector<1536x512xi1>, vector<1536x512xi32>
    %eq3A = arith.cmpi eq, %select_n3A, %iota3A_4 : vector<1536x512xi32>
    %jit3A_28 = arith.constant 1.000000e+00 : f32
    %jit3A_29 = arith.constant 0.000000e+00 : f32
    %broadcast_in_dim3A = vector.broadcast %jit3A_28 : f32 to vector<1536x512xf32>
    %broadcast_in_dim3A_30 = vector.broadcast %jit3A_29 : f32 to vector<1536x512xf32>
    %select_n3A_31 = arith.select %eq3A, %broadcast_in_dim3A, %broadcast_in_dim3A_30 : vector<1536x512xi1>, vector<1536x512xf32>
    %convert_element_type3A = arith.truncf %select_n3A_31 : vector<1536x512xf32> to vector<1536x512xbf16>
    %convert_element_type3A_32 = arith.truncf %get3A_3 : vector<512x1536xf32> to vector<512x1536xbf16>
    %convert_element_type3A_33 = arith.extf %convert_element_type3A_32 : vector<512x1536xbf16> to vector<512x1536xf32>
    %sub3A_34 = arith.subf %get3A_3, %convert_element_type3A_33 : vector<512x1536xf32>
    %convert_element_type3A_35 = arith.truncf %sub3A_34 : vector<512x1536xf32> to vector<512x1536xbf16>
    %dot_general3A = arith.constant dense<0.000000e+00> : vector<512x512xf32>
    %dot_general3A_36 = tpu.matmul %convert_element_type3A_32, %convert_element_type3A, %dot_general3A {dimension_numbers = #tpu.dot_dimension_numbers<[1], [0], [0], [1], [0, 0, 1, 1], [], []>, transpose_lhs_hint = false} : vector<512x1536xbf16>, vector<1536x512xbf16>, vector<512x512xf32> -> vector<512x512xf32>
    %dot_general3A_37 = arith.constant dense<0.000000e+00> : vector<512x512xf32>
    %dot_general3A_38 = tpu.matmul %convert_element_type3A_35, %convert_element_type3A, %dot_general3A_37 {dimension_numbers = #tpu.dot_dimension_numbers<[1], [0], [0], [1], [0, 0, 1, 1], [], []>, transpose_lhs_hint = false} : vector<512x1536xbf16>, vector<1536x512xbf16>, vector<512x512xf32> -> vector<512x512xf32>
    %add3A = arith.addf %dot_general3A_36, %dot_general3A_38 : vector<512x512xf32>
    %mul3A = arith.constant 0.333333343 : f32
    %mul3A_39 = vector.broadcast %mul3A : f32 to vector<512x512xf32>
    %mul3A_40 = arith.mulf %add3A, %mul3A_39 : vector<512x512xf32>
    %swap3A = arith.constant 0 : index
    %swap3A_41 = arith.constant 0 : index
    %swap3A_42 = arith.constant 0 : index
    %swap3A_43 = vector.load %arg2[%swap3A, %swap3A_41, %swap3A_42] : memref<1x512x512xf32, #tpu.memory_space<vmem>>, vector<1x512x512xf32>
    %swap3A_44 = vector.shape_cast %swap3A_43 : vector<1x512x512xf32> to vector<512x512xf32>
    %swap3A_45 = vector.shape_cast %mul3A_40 : vector<512x512xf32> to vector<1x512x512xf32>
    tpu.vector_store %arg2[%swap3A, %swap3A_41, %swap3A_42], %swap3A_45 {strides = array<i32>} : memref<1x512x512xf32, #tpu.memory_space<vmem>>, vector<1x512x512xf32>,
    %reshape3A = vector.shape_cast %mul3A_40 : vector<512x512xf32> to vector<262144xf32>
    %swap3A_46 = arith.constant 0 : index
    %swap3A_47 = vector.load %arg3[%swap3A_46] : memref<262144xf32, #tpu.memory_space<vmem>>, vector<262144xf32>
    tpu.vector_store %arg3[%swap3A_46], %reshape3A {strides = array<i32>} : memref<262144xf32, #tpu.memory_space<vmem>>, vector<262144xf32>,
    return
  }
  func.func @transform_0(%arg0: i32) -> (i32, i32, i32) {
    %c0_i32 = arith.constant 0 : i32
    %c0_i32_0 = arith.constant 0 : i32
    %c0_i32_1 = arith.constant 0 : i32
    return %arg0, %c0_i32, %c0_i32_0 : i32, i32, i32
  }
  func.func @transform_1(%arg0: i32) -> (i32, i32, i32) {
    %c0_i32 = arith.constant 0 : i32
    %c0_i32_0 = arith.constant 0 : i32
    %c0_i32_1 = arith.constant 0 : i32
    return %arg0, %c0_i32, %c0_i32_0 : i32, i32, i32
  }
  func.func @transform_2(%arg0: i32) -> i32 {
    %c0_i32 = arith.constant 0 : i32
    return %arg0 : i32
  }
}

</mosaic_0001>

<sc_bundles>
// kernel: kernel.5.cloned.1.call-start
scs
__scs_entry_jumppad:
0x0: {  	(pc) =	sbr.rel $0x88, $3  }
0x1: {  	(tag) =	ssettag $0x0;
	lr =	simm.s32 $0x1  }
0x2: {  	[smem:$0x3FA0] =	sst lr;
	_ =	strace $0xD0000000  }
0x3: {  	_ = 	snop  }
0x4: {  	_ = 	snop  }
0x5: {  	_ = 	snop  }
0x6: {  	_ = 	snop  }
0x7: {  	_ = 	snop  }
__scs_overlays_trampoline_lowered:
0x8: {  	[smem:$0x3FAF] =	sst s0  }
0x9: {  	[smem:$0x3FB0] =	sst s1  }
0xa: {  	[smem:$0x3FB1] =	sst s2  }
0xb: {  	[smem:$0x3FB2] =	sst s3  }
0xc: {  	[smem:$0x3FB3] =	sst s4  }
0xd: {  	[smem:$0x3FB4] =	sst s5  }
0xe: {  	[smem:$0x3FB5] =	sst s6  }
0xf: {  	[smem:$0x3FB6] =	sst s7  }
0x10: {  	[smem:$0x3FB7] =	sst s8  }
0x11: {  	[smem:$0x3FB8] =	sst s9;
	s0 =	simm.s32 @!p0 $0x0  }
0x12: {  	s1 =	sld [smem:$0x3F9E];
	s0 =	simm.s32 @p0 $0x1  }
0x13: {  	[smem:$0x3FB9] =	sst s0;
	s0 =	simm.s32 @!p1 $0x0  }
0x14: {  	s2 =	sld [smem:$0x3F9D];
	s0 =	simm.s32 @p1 $0x1  }
0x15: {  	[smem:$0x3FBA] =	sst s0;
	s0 =	simm.s32 @!p2 $0x0  }
0x16: {  	s3 =	sld [smem:$0x3FDB];
	s0 =	simm.s32 @p2 $0x1  }
0x17: {  	s4 =	simm.s32 $0x1BF5;
	[smem:$0x3FBC] =	sst s0  }
0x18: {  	s0 =	sld [smem:$0x3F9F];
	_ =	swait.ge [sflag:s4], $0x0  }
0x19: {  	s7 =	sld [smem:$0x3FA0]  }
0x1a: {  	s8 =	sadd.s32 $0xFFFFE003, lr  }
0x1b: {  	s9 =	sadd.s32 $0xFFFFFEF7, lr;
	s5 =	simm.s32 $0xFFFFFFFF;
	p2 =	slt.u32 s8, $0xFFFFF086  }
0x1c: {  	p1 =	slt.u32 s9, $0xF7A;
	s5 =	simm.s32 @!p2 $0x0  }
0x1d: {  	s5 =	simm.s32 @p1 $0x1;
	p0 =	seq.s32 s7, s2  }
0x1e: {  	s7 =	smul.u32 @!p0 $0xF7A, s2;
	p2 =	seq.s32 @!p0 s5, $0x0  }
0x1f: {  	s9 =	smul.u32 $0xF7A, s1;
	s8 =	simm.s32 @!p0 $0x1BF5;
	p2 =	por !p2, p0  }
0x20: {  	[sflag:s8] =	ssyncset.s32 @!p0 $0xFFFFF086;
	s6 =	sadd.s32 @!p0 s3, s7;
	s7 =	simm.s32 @!p0 $0x108  }
0x21: {  	s3 =	sadd.s32 s3, s9;
	s6 =	sadd.s32 @!p0 $0x88, s6;
	s7 =	simm.s32 @p2 $0x1082  }
0x22: {  	[simem:s7], [sflag:s8] =	dma.local @!p0 [hbm:s6], $0xF7A  }
0x23: {  	s9 =	sor.u32 $0xD0000000, s2;
	s6 =	simm.s32 $0x108;
	_ =	swait.ge @!p0 [sflag:s8], $0x0  }
0x24: {  	s3 =	sadd.s32 $0x88, s3;
	s6 =	simm.s32 @!p1 $0x1082;
	[sflag:s4] =	ssyncset.s32 $0xFFFFF086  }
0x25: {  	[simem:s6], [sflag:s4] =	dma.local [hbm:s3], $0xF7A  }
0x26: {  	[smem:$0x3FA0] =	sst s1;
	(tag) =	ssettag s2;
	_ =	strace s9  }
0x27: {  	s1 =	sld [smem:$0x3FB0]  }
0x28: {  	s2 =	sld [smem:$0x3FB1]  }
0x29: {  	s4 =	sld [smem:$0x3FB3]  }
0x2a: {  	p0 =	seq.s32 s5, $0x0;
	s5 =	sld [smem:$0x3FB4]  }
0x2b: {  	s6 =	sld [smem:$0x3FB5]  }
0x2c: {  	s7 =	sld [smem:$0x3FB6]  }
0x2d: {  	s3 =	simm.s32 $0x108;
	s8 =	sld [smem:$0x3FB7]  }
0x2e: {  	s3 =	simm.s32 @!p0 $0x1082;
	s9 =	sld [smem:$0x3FB8]  }
0x2f: {  	lr =	sadd.s32 s0, s3;
	s0 =	sld [smem:$0x3FAF]  }
0x30: {  	s3 =	sld [smem:$0x3FB2]  }
0x31: {  	[smem:$0x3FBB] =	sst s10  }
0x32: {  	s10 =	sld [smem:$0x3FB9];
	_ =	sdelay $0x3  }
0x33: {  	p0 =	seq.s32 s10, $0x1;
	s10 =	sld [smem:$0x3FBB];
	_ =	sdelay $0x3  }
0x34: {  	[smem:$0x3FBB] =	sst s10  }
0x35: {  	s10 =	sld [smem:$0x3FBA];
	_ =	sdelay $0x3  }
0x36: {  	p1 =	seq.s32 s10, $0x1;
	s10 =	sld [smem:$0x3FBB];
	_ =	sdelay $0x3  }
0x37: {  	[smem:$0x3FBB] =	sst s10  }
0x38: {  	s10 =	sld [smem:$0x3FBC]  }
0x39: {  	_ = 	snop;
	(pc) =	sbr.ind lr, $3  }
0x3a: {  	_ = 	snop  }
0x3b: {  	_ = 	snop  }
0x3c: {  	p2 =	seq.s32 s10, $0x1;
	s10 =	sld [smem:$0x3FBB]  }
0x3d: {  	_ =	shalt  }
0x3e: {  	_ =	shalt  }
0x3f: {  	_ =	shalt  }
0x40: {  	_ =	shalt  }
0x41: {  	_ =	shalt  }
0x42: {  	_ =	shalt  }
0x43: {  	_ =	shalt  }
0x44: {  	_ =	shalt  }
0x45: {  	_ =	shalt  }
0x46: {  	_ =	shalt  }
0x47: {  	_ =	shalt  }
0x48: {  	_ =	shalt  }
0x49: {  	_ =	shalt  }
0x4a: {  	_ =	shalt  }
0x4b: {  	_ =	shalt  }
0x4c: {  	_ =	shalt  }
0x4d: {  	_ =	shalt  }
0x4e: {  	_ =	shalt  }
0x4f: {  	_ =	shalt  }
0x50: {  	_ =	shalt  }
0x51: {  	_ =	shalt  }
0x52: {  	_ =	shalt  }
0x53: {  	_ =	shalt  }
0x54: {  	_ =	shalt  }
0x55: {  	_ =	shalt  }
0x56: {  	_ =	shalt  }
0x57: {  	_ =	shalt  }
0x58: {  	_ =	shalt  }
0x59: {  	_ =	shalt  }
0x5a: {  	_ =	shalt  }
0x5b: {  	_ =	shalt  }
0x5c: {  	_ =	shalt  }
0x5d: {  	_ =	shalt  }
0x5e: {  	_ =	shalt  }
0x5f: {  	_ =	shalt  }
0x60: {  	_ =	shalt  }
0x61: {  	_ =	shalt  }
0x62: {  	_ =	shalt  }
0x63: {  	_ =	shalt  }
0x64: {  	_ =	shalt  }
0x65: {  	_ =	shalt  }
0x66: {  	_ =	shalt  }
0x67: {  	_ =	shalt  }
0x68: {  	_ =	shalt  }
0x69: {  	_ =	shalt  }
0x6a: {  	_ =	shalt  }
0x6b: {  	_ =	shalt  }
0x6c: {  	_ =	shalt  }
0x6d: {  	_ =	shalt  }
0x6e: {  	_ =	shalt  }
0x6f: {  	_ =	shalt  }
0x70: {  	_ =	shalt  }
0x71: {  	_ =	shalt  }
0x72: {  	_ =	shalt  }
0x73: {  	_ =	shalt  }
0x74: {  	_ =	shalt  }
0x75: {  	_ =	shalt  }
0x76: {  	_ =	shalt  }
0x77: {  	_ =	shalt  }
0x78: {  	_ =	shalt  }
0x79: {  	_ =	shalt  }
0x7a: {  	_ =	shalt  }
0x7b: {  	_ =	shalt  }
0x7c: {  	_ =	shalt  }
0x7d: {  	_ =	shalt  }
0x7e: {  	_ =	shalt  }
0x7f: {  	_ =	shalt  }
0x80: {  	_ =	shalt  }
0x81: {  	_ =	shalt  }
0x82: {  	_ =	shalt  }
0x83: {  	_ =	shalt  }
0x84: {  	_ =	shalt  }
0x85: {  	_ =	shalt  }
0x86: {  	_ =	shalt  }
0x87: {  	_ =	shalt  }
.Lfunc_end0:
.L_simem_size_0:
called_computation_lowered:
.L_overlay_start_0:
0x88: {  	s2 =	sld [smem:$0x3FD9]  }
0x89: {  	s3 =	sld [smem:$0x3FFE];
	_ =	sdelay $0x1  }
0x8a: {  	s1 =	srdreg.scid  }
0x8b: {  	s0 =	sand.u32 $0x1, s1  }
0x8c: {  	s17 =	sshll.u32 s0, $0xA;
	s2 =	sadd.s32 s3, s2  }
0x8d: {  	s2 =	sadd.s32 s2, s17  }
0x8e: {  	[smem:$0x3FC7] =	sst s2  }
0x8f: {  	_ = 	snop  }
0x90: {  	s2 =	sld [smem:$0x3FD0];
	(tm) =	ssettm $0x1  }
0x91: {  	s18 =	sld [smem:$0x3FFB];
	_ =	sdelay $0x3  }
0x92: {  	_ =	strace s18  }
0x93: {  	s3 =	sld [smem:$0x3FFC];
	_ =	sdelay $0x3  }
0x94: {  	_ =	strace s3  }
0x95: {  	s3 =	sld [smem:$0x3FFD];
	_ =	sdelay $0x3  }
0x96: {  	_ =	strace s3  }
0x97: {  	_ =	strace $0x8FFFFFFF  }
0x98: {  	s19 =	sld [smem:$0x3FDB];
	_ =	sdelay $0x1  }
0x99: {  	s4 =	simm.s32 $_scs_section_size  }
0x9a: {  	s5 =	simm.s32 $_size__tile_overlayer_lowered;
	s6 =	simm.s32 $_tile_overlayer_lowered  }
0x9b: {  	s22 =	simm.s32 $0x1BFF;
	s21 =	sshll.u32 s6, $0x1;
	s3 =	sadd.s32 s4, s19  }
0x9c: {  	s7 =	simm.s32 $0x0;
	s20 =	sshll.u32 s5, $0x1;
	s5 =	sadd.s32 s21, s3  }
0x9d: {  	[timem:s7], [sflag:s22] =	dma.local [hbm:s5], s20  }
0x9e: {  	_ =	swait.ge [sflag:s22], s20  }
0x9f: {  	s4 =	ssub.s32 $0x0, s20;
	[sflag:s22] =	ssyncset.done $0x0  }
0xa0: {  	[sflag:s22] =	ssyncadd.s32 s4;
	_ =	sdelay $0x1  }
0xa1: {  	s23 =	simm.s32 $0x1B8B  }
0xa2: {  	_ =	swait.ge [sflag:s23], $0x1  }
0xa3: {  	[sflag:s23] =	ssyncset.done $0x0  }
0xa4: {  	s25 =	simm.s32 $0x1B8E;
	s24 =	sld [smem:$0x3FFE];
	[sflag:s23] =	ssyncadd.s32 $0xFFFFFFFF  }
0xa5: {  	s26 =	simm.s32 $execute0_lowered;
	[smem:$0x3FD2] =	sst s25  }
0xa6: {  	s5 =	sshll.u32 s26, $0x1;
	_ =	strace $0x80000046;
	[dreg:$0x1] =	wrdreg $0xFFFFFFFF  }
0xa7: {  	s28 =	simm.s32 $_size_execute0_lowered;
	s3 =	sadd.s32 s3, s5;
	[dreg:$0x0] =	wrdreg $0x0  }
0xa8: {  	s5 =	sshll.u32 s28, $0x1;
	[dreg:$0x2] =	wrdreg s3  }
0xa9: {  	[dreg:$0x3] =	wrdreg s5  }
0xaa: {  	[dreg:$0x4] =	wrdreg $0xC0  }
0xab: {  	_ =	task [dreg:s7], $0x5FFFF  }
0xac: {  	[dreg:$0x1] =	wrdreg $0xFFFFFFFF  }
0xad: {  	[dreg:$0x0] =	wrdreg $0x60  }
0xae: {  	[dreg:$0x2] =	wrdreg s2  }
0xaf: {  	[dreg:$0x3] =	wrdreg s24  }
0xb0: {  	[dreg:$0x4] =	wrdreg $0x71000  }
0xb1: {  	[dreg:$0x5] =	wrdreg $0x9  }
0xb2: {  	_ =	task.clear_ibuf [dreg:s7], $0x6FFFF;
	_ =	strace $0x90000046  }
0xb3: {  	s29 =	simm.s32 $0x9;
	_ =	strace $0x80000048  }
0xb4: {  	_ =	swait.ge [sflag:s29], $0x1  }
0xb5: {  	[sflag:s29] =	ssyncadd.s32 $0xFFFFFFFF  }
0xb6: {  	_ =	strace $0x90000048  }
0xb7: {  	_ =	sfence  }
0xb8: {  	s30 =	sld [smem:$0x0];
	_ =	sdelay $0x2  }
0xb9: {  	s31 =	sshll.u32 s1, $0xD;
	s1 =	sshrl.u32 s1, $0x2  }
0xba: {  	s3 =	sand.u32 $0x4000, s31;
	s1 =	sadd.s32 s1, s30  }
0xbb: {  	s0 =	sor.u32 s3, s0;
	s1 =	sshll.u32 s1, $0x11  }
0xbc: {  	s0 =	sor.u32 s1, s0  }
0xbd: {  	s0 =	sadd.s32 $0x8F2B, s0  }
0xbe: {  	[sflag:s0] =	ssyncadd.remote.s32 $0x1  }
0xbf: {  	_ =	sfence.sel $0xFFFF  }
0xc0: {  	[dreg:$0x0] =	wrdreg $0xFFFFFFFF;
	(pc) =	sbr.abs _section_cstart, $3  }
0xc1: {  	[dreg:$0x1] =	wrdreg $0xFFFFFFFF  }
0xc2: {  	_ =	task.clear_ibuf [dreg:s7], $0x2FFFF;
	_ =	strace $0x9FFFFFFF  }
0xc3: {  	(tm) =	ssettm $0x7FFFFFFF  }
tec
execute0_lowered:
.L_overlay_start_1:
0x0: {  	(tag) =	ssettag $0x1  }
0x1: {  	s1 =	rddreg [dreg:$0x0]  }
0x2: {  	s4 =	rddreg [dreg:$0x1]  }
0x3: {  	s7 =	rddreg [dreg:$0x2]  }
0x4: {  	s0 =	rddreg [dreg:$0x3];
	s5 =	srdreg.scid;
	s3 =	simm.s32 $0x0  }
0x5: {  	s2 =	stileid.u32;
	s13 =	simm.s32 $0x1;
	s14 =	simm.s32 $0x4000  }
0x6: {  	s15 =	simm.s32 $0x2;
	s16 =	simm.s32 $0x80;
	s17 =	simm.s32 $0x400  }
0x7: {  	s18 =	simm.s32 $0x3;
	s19 =	simm.s32 $0x6000;
	s20 =	simm.s32 $0x5000  }
0x8: {  	s21 =	simm.s32 $0x7000;
	s22 =	simm.s32 $0x7080;
	s23 =	simm.s32 $0x0  }
0x9: {  	s5 =	sand.u32 $0x1, s5;
	[smem:$0x7FF] =	sst s3;
	s8 =	sand.u32 $0x7, s2  }
0xa: {  	s26 =	sshll.u32 s2, $0xE;
	s29 =	sshll.u32 s2, $0xC;
	s31 =	sshll.u32 s2, $0x7  }
0xb: {  	p0 =	sgt.u32 s2, $0x7;
	s6 =	sshll.u32 s5, $0x3;
	_ =	strace $0x80000047  }
0xc: {  	s5 =	ssub.s32 $0x2, s5;
	s30 =	sand.u32 $0x8000, s29;
	s6 =	sor.u32 s8, s6  }
0xd: {  	s8 =	sand.u32 $0x20000, s26;
	s28 =	sshrl.u32 s5, $0x1;
	s12 =	sxor.u32 $0x8000, s30  }
0xe: {  	s9 =	sshll.u32 s6, $0x1;
	s6 =	sshll.u32 s6, $0x12;
	s11 =	ssub.s32 s5, s28  }
.Ltmp0:
0xf: {  	s10 =	sadd.s32 s9, s4;
	s4 =	sor.u32 s8, s6;
	(pc) =	sbr.rel .LBB2_1-.Ltmp0, $4  }
0x10: {  	s12 =	sadd.s32 s12, s7;
	s9 =	sand.u32 $0x380, s31;
	s8 =	sshrl.u32 s4, $0x3  }
0x11: {  	s11 =	smax.u32 s11, $0x1;
	s5 =	sadd.s32 s1, s8;
	s8 =	sadd.s32 s30, s7  }
0x12: {  	s6 =	sor.u32 $0x4000, s4;
	s7 =	sadd.s32 s9, s8;
	s8 =	sadd.s32 s9, s12  }
0x13: {  	v0 =	vimm.s32 $0x0;
	v1 =	vimm.s32 $0x1;
	s9 =	sadd.s32 $0x81000, s10;
	s10 =	sadd.s32 $0x81200, s10;
	s12 =	simm.s32 $0x2000  }
.LBB2_15:
0x14: {  	s23 =	sadd.s32 $0x1, s23  }
0x15: {  	p1 =	sne.s32 s23, s11  }
.Ltmp1:
0x16: {  	_ = 	snop;
	(pc) =	sbr.rel @!p1 .LBB2_16-.Ltmp1, $1  }
0x17: {  	_ =	sdelay $0x3  }
.LBB2_1:
0x18: {  	s24 =	simm.s32 $0x4040  }
0x19: {  	[tilespmem:s24+$0xFFFFFFC0] =	vst v0  }
0x1a: {  	[tilespmem:s24+$0x30] =	vst v0  }
0x1b: {  	[tilespmem:s24+$0x20] =	vst v0  }
0x1c: {  	[tilespmem:s24+$0x10] =	vst v0  }
0x1d: {  	[tilespmem:s24+$0x0] =	vst v0  }
0x1e: {  	[tilespmem:s24+$0xFFFFFFF0] =	vst v0  }
0x1f: {  	s25 =	simm.s32 $0x0;
	[tilespmem:s24+$0xFFFFFFE0] =	vst v0  }
.LBB2_2:
0x20: {  	s25 =	sadd.s32 $0x8, s25;
	[tilespmem:s24+$0xFFFFFFD0] =	vst v0;
	s24 =	sadd.s32 $0x80, s24  }
0x21: {  	[tilespmem:s24+$0xFFFFFFC0] =	vst v0;
	p1 =	slt.u32 s25, $0xF8  }
0x22: {  	[tilespmem:s24+$0x30] =	vst v0  }
.Ltmp2:
0x23: {  	[tilespmem:s24+$0x20] =	vst v0;
	(pc) =	sbr.rel @p1 .LBB2_2-.Ltmp2, $4  }
0x24: {  	[tilespmem:s24+$0x10] =	vst v0  }
0x25: {  	[tilespmem:s24+$0x0] =	vst v0  }
0x26: {  	[tilespmem:s24+$0xFFFFFFF0] =	vst v0  }
0x27: {  	[tilespmem:s24+$0xFFFFFFE0] =	vst v0  }
0x28: {  	[tilespmem:s24+$0xFFFFFFD0] =	vst v0;
	s24 =	simm.s32 $0x0  }
0x29: {  	[tilespmem:s24], [sflag:$0x1] =	stream.linear.gather [hbm4b:s5+s24], $0x2000, $0x38;
	[tilespmem:$0x8100] =	vst v63  }
.LBB2_4:
0x2a: {  	s25 =	sshll.u32 s24, $0xE  }
0x2b: {  	s26 =	sor.u32 s25, s4  }
0x2c: {  	s26 =	sshrl.u32 s26, $0x3  }
0x2d: {  	s26 =	sadd.s32 s26, s1  }
0x2e: {  	s26 =	sadd.s32 $0x400, s26  }
0x2f: {  	[tilespmem:s12], [sflag:$0x2] =	stream.linear.gather [hbm4b:s26+s3], $0x2000, $0x38;
	[tilespmem:$0x8100] =	vst v63  }
0x30: {  	_ =	swait.ge [sflag:s13], $0x2000  }
0x31: {  	[sflag:s13] =	ssyncset.done $0x0  }
0x32: {  	s30 =	simm.s32 $0x40;
	[sflag:s13] =	ssyncadd.s32 $0xFFFFE000  }
0x33: {  	v2 =	vld [tilespmem:s30+$0x30]  }
0x34: {  	v3 =	vld [tilespmem:s30+$0xFFFFFFD0]  }
0x35: {  	v4 =	vld [tilespmem:s30+$0xFFFFFFE0]  }
0x36: {  	v5 =	vld [tilespmem:s30+$0xFFFFFFF0]  }
0x37: {  	v6 =	vld [tilespmem:s30+$0x0]  }
0x38: {  	v7 =	vld [tilespmem:s30+$0x10]  }
0x39: {  	v8 =	vld [tilespmem:s30+$0x20]  }
0x3a: {  	s31 =	simm.s32 $0xC0;
	v9 =	vld [tilespmem:s30+$0xFFFFFFC0]  }
0x3b: {  	v10 =	vld [tilespmem:s31+$0x30]  }
0x3c: {  	v12 =	vld [tilespmem:s31+$0xFFFFFFE0];
	v2 =	vmul.f32 $2.560000000e+02, v2  }
0x3d: {  	v13 =	vld [tilespmem:s31+$0xFFFFFFF0];
	v3 =	vmul.f32 $2.560000000e+02, v3;
	v4 =	vmul.f32 $2.560000000e+02, v4  }
0x3e: {  	v5 =	vmul.f32 $2.560000000e+02, v5;
	v6 =	vmul.f32 $2.560000000e+02, v6  }
0x3f: {  	v7 =	vmul.f32 $2.560000000e+02, v7;
	v8 =	vmul.f32 $2.560000000e+02, v8  }
0x40: {  	v9 =	vmul.f32 $2.560000000e+02, v9;
	v10 =	vmul.f32 $2.560000000e+02, v10;
	v2 =	vadd.f32 $2.048000000e+03, v2  }
0x41: {  	v12 =	vmul.f32 $2.560000000e+02, v12;
	v3 =	vadd.f32 $2.048000000e+03, v3;
	v4 =	vadd.f32 $2.048000000e+03, v4  }
0x42: {  	v13 =	vmul.f32 $2.560000000e+02, v13;
	v5 =	vadd.f32 $2.048000000e+03, v5;
	v6 =	vadd.f32 $2.048000000e+03, v6  }
0x43: {  	v7 =	vadd.f32 $2.048000000e+03, v7;
	v8 =	vadd.f32 $2.048000000e+03, v8;
	v2 =	vtrunc.f32 v2  }
0x44: {  	v9 =	vadd.f32 $2.048000000e+03, v9;
	v3 =	vtrunc.f32 v3;
	v4 =	vtrunc.f32 v4  }
0x45: {  	v10 =	vadd.f32 $2.048000000e+03, v10;
	v5 =	vtrunc.f32 v5;
	v6 =	vtrunc.f32 v6  }
0x46: {  	v7 =	vtrunc.f32 v7;
	v9 =	vtrunc.f32 v9  }
0x47: {  	v8 =	vtrunc.f32 v8;
	v10 =	vtrunc.f32 v10  }
0x48: {  	v2 =	vcvt.f32.s32 v2;
	v9 =	vcvt.f32.s32 v9  }
0x49: {  	v3 =	vcvt.f32.s32 v3;
	v4 =	vcvt.f32.s32 v4  }
0x4a: {  	v5 =	vcvt.f32.s32 v5;
	v6 =	vcvt.f32.s32 v6  }
0x4b: {  	v11 =	vld [tilespmem:s31+$0xFFFFFFD0];
	v13 =	vadd.f32 $2.048000000e+03, v13;
	v7 =	vcvt.f32.s32 v7;
	v8 =	vcvt.f32.s32 v8  }
0x4c: {  	vm0 =	vgt.s32 v2, $0x0;
	vm13 =	vgt.s32 v9, $0x0;
	vm1 =	vgt.s32 v3, $0x0  }
0x4d: {  	v14 =	vld [tilespmem:s31+$0x0];
	vm2 =	vgt.s32 v4, $0x0;
	vm3 =	vgt.s32 v5, $0x0;
	vm4 =	vgt.s32 v6, $0x0  }
0x4e: {  	vm14 =	vgt.s32 v8, $0x0;
	v2 =	vnsel vm0, $0x0, v2;
	v9 =	vnsel vm13, $0x0, v9  }
0x4f: {  	v17 =	vld [tilespmem:s31+$0xFFFFFFC0];
	v3 =	vnsel vm1, $0x0, v3;
	v4 =	vnsel vm2, $0x0, v4;
	v5 =	vnsel vm3, $0x0, v5  }
0x50: {  	v15 =	vnsel vm4, $0x0, v6;
	v6 =	vld [tilespmem:s31+$0x10];
	v16 =	vnsel vm14, $0x0, v8;
	v8 =	vmul.f32 $2.560000000e+02, v11  }
0x51: {  	v11 =	vld [tilespmem:s31+$0x20];
	v2 =	vmin.u32 v2, $0xFFF;
	v9 =	vmin.u32 v9, $0xFFF;
	v18 =	vmin.u32 v5, $0xFFF  }
0x52: {  	v5 =	vadd.f32 $2.048000000e+03, v12;
	v12 =	vmul.f32 $2.560000000e+02, v14;
	v8 =	vadd.f32 $2.048000000e+03, v8  }
0x53: {  	v10 =	vcvt.f32.s32 v10;
	v3 =	vmin.u32 v3, $0xFFF;
	v4 =	vmin.u32 v4, $0xFFF  }
0x54: {  	v14 =	vtrunc.f32 v8;
	v8 =	vadd.f32 $2.048000000e+03, v12;
	v12 =	vmul.f32 $2.560000000e+02, v17  }
0x55: {  	vm5 =	vgt.s32 v7, $0x0;
	vm15 =	vgt.s32 v10, $0x0;
	v6 =	vmul.f32 $2.560000000e+02, v6  }
0x56: {  	v7 =	vnsel vm5, $0x0, v7;
	v11 =	vmul.f32 $2.560000000e+02, v11;
	[tilespmem:v9+s14+$0x0] =	vst.idx.add.s32.msk $0xffff, v1;
	v9 =	vadd.f32 $2.048000000e+03, v12  }
0x57: {  	[tilespmem:v2+s14+$0x0] =	vst.idx.add.s32.msk $0xffff, v1;
	v63 =	vadd.f32 $2.048000000e+03, v6;
	v6 =	vtrunc.f32 v5;
	v5 =	vnsel vm15, $0x0, v10  }
0x58: {  	[tilespmem:v3+s14+$0x0] =	vst.idx.add.s32.msk $0xffff, v1;
	v2 =	vadd.f32 $2.048000000e+03, v11;
	v10 =	vtrunc.f32 v13;
	v5 =	vmin.u32 v5, $0xFFF  }
0x59: {  	v3 =	vmin.u32 v15, $0xFFF;
	[tilespmem:v4+s14+$0x0] =	vst.idx.add.s32.msk $0xffff, v1;
	v11 =	vtrunc.f32 v8;
	v4 =	vtrunc.f32 v9  }
0x5a: {  	v12 =	vtrunc.f32 v63;
	v9 =	vtrunc.f32 v2;
	v2 =	vmin.u32 v7, $0xFFF  }
0x5b: {  	s28 =	simm.s32 $0x140;
	s26 =	simm.s32 $0x8;
	[tilespmem:v18+s14+$0x0] =	vst.idx.add.s32.msk $0xffff, v1;
	v8 =	vcvt.f32.s32 v4;
	v7 =	vcvt.f32.s32 v14;
	v4 =	vmin.u32 v16, $0xFFF  }
.LBB2_5:
0x5c: {  	v13 =	vld [tilespmem:s28+$0x30];
	v6 =	vcvt.f32.s32 v6;
	v10 =	vcvt.f32.s32 v10  }
0x5d: {  	s26 =	sadd.s32 $0x8, s26;
	v11 =	vcvt.f32.s32 v11;
	v12 =	vcvt.f32.s32 v12;
	vm0 =	vgt.s32 v8, $0x0;
	[tilespmem:v5+s14+$0x0] =	vst.idx.add.s32.msk $0xffff, v1  }
0x5e: {  	v9 =	vcvt.f32.s32 v9;
	p1 =	slt.u32 s26, $0x1F8;
	vm1 =	vgt.s32 v7, $0x0;
	v5 =	vld [tilespmem:s28+$0xFFFFFFD0];
	vm2 =	vgt.s32 v6, $0x0  }
0x5f: {  	vm3 =	vgt.s32 v10, $0x0;
	vm4 =	vgt.s32 v11, $0x0;
	vm5 =	vgt.s32 v12, $0x0;
	v14 =	vld [tilespmem:s28+$0xFFFFFFE0]  }
0x60: {  	v8 =	vnsel vm0, $0x0, v8;
	v7 =	vnsel vm1, $0x0, v7;
	vm0 =	vgt.s32 v9, $0x0;
	v15 =	vld [tilespmem:s28+$0xFFFFFFF0]  }
0x61: {  	v6 =	vnsel vm2, $0x0, v6;
	v10 =	vnsel vm3, $0x0, v10;
	v17 =	vnsel vm4, $0x0, v11;
	v16 =	vld [tilespmem:s28+$0x0]  }
0x62: {  	v18 =	vnsel vm5, $0x0, v12;
	v19 =	vnsel vm0, $0x0, v9;
	v13 =	vmul.f32 $2.560000000e+02, v13;
	v11 =	vld [tilespmem:s28+$0x10]  }
0x63: {  	v8 =	vmin.u32 v8, $0xFFF;
	v7 =	vmin.u32 v7, $0xFFF;
	v5 =	vmul.f32 $2.560000000e+02, v5;
	v9 =	vld [tilespmem:s28+$0x20]  }
0x64: {  	v20 =	vmin.u32 v6, $0xFFF;
	v13 =	vadd.f32 $2.048000000e+03, v13;
	v12 =	vld [tilespmem:s28+$0xFFFFFFC0];
	v14 =	vmul.f32 $2.560000000e+02, v14  }
0x65: {  	v5 =	vadd.f32 $2.048000000e+03, v5;
	v6 =	vmul.f32 $2.560000000e+02, v15;
	v15 =	vmin.u32 v10, $0xFFF;
	[tilespmem:v3+s14+$0x0] =	vst.idx.add.s32.msk $0xffff, v1  }
0x66: {  	v13 =	vtrunc.f32 v13;
	v3 =	vadd.f32 $2.048000000e+03, v14;
	v10 =	vmul.f32 $2.560000000e+02, v16;
	[tilespmem:v2+s14+$0x0] =	vst.idx.add.s32.msk $0xffff, v1  }
0x67: {  	v2 =	vadd.f32 $2.048000000e+03, v6;
	v6 =	vmul.f32 $2.560000000e+02, v11;
	v11 =	vcvt.f32.s32 v13;
	[tilespmem:v4+s14+$0x0] =	vst.idx.add.s32.msk $0xffff, v1  }
0x68: {  	v4 =	vtrunc.f32 v5;
	v13 =	vadd.f32 $2.048000000e+03, v10;
	v5 =	vmul.f32 $2.560000000e+02, v9;
	[tilespmem:v8+s14+$0x0] =	vst.idx.add.s32.msk $0xffff, v1  }
0x69: {  	v8 =	vmul.f32 $2.560000000e+02, v12;
	v9 =	vadd.f32 $2.048000000e+03, v6;
	vm0 =	vgt.s32 v11, $0x0;
	[tilespmem:v7+s14+$0x0] =	vst.idx.add.s32.msk $0xffff, v1  }
.Ltmp3:
0x6a: {  	v6 =	vtrunc.f32 v3;
	v7 =	vadd.f32 $2.048000000e+03, v5;
	v3 =	vnsel vm0, $0x0, v11;
	[tilespmem:v20+s14+$0x0] =	vst.idx.add.s32.msk $0xffff, v1;
	(pc) =	sbr.rel @p1 .LBB2_5-.Ltmp3, $4  }
0x6b: {  	v10 =	vtrunc.f32 v2;
	v8 =	vadd.f32 $2.048000000e+03, v8;
	v5 =	vmin.u32 v3, $0xFFF;
	[tilespmem:v15+s14+$0x0] =	vst.idx.add.s32.msk $0xffff, v1  }
0x6c: {  	v11 =	vtrunc.f32 v13;
	v12 =	vtrunc.f32 v9;
	v3 =	vmin.u32 v17, $0xFFF  }
0x6d: {  	v2 =	vmin.u32 v18, $0xFFF;
	v9 =	vtrunc.f32 v7;
	v8 =	vtrunc.f32 v8  }
0x6e: {  	s28 =	sadd.s32 $0x80, s28;
	v7 =	vcvt.f32.s32 v4;
	v4 =	vmin.u32 v19, $0xFFF;
	v8 =	vcvt.f32.s32 v8  }
0x6f: {  	v6 =	vcvt.f32.s32 v6;
	v10 =	vcvt.f32.s32 v10  }
0x70: {  	v11 =	vcvt.f32.s32 v11;
	v12 =	vcvt.f32.s32 v12;
	vm0 =	vgt.s32 v8, $0x0  }
0x71: {  	v9 =	vcvt.f32.s32 v9;
	vm1 =	vgt.s32 v7, $0x0;
	v8 =	vnsel vm0, $0x0, v8  }
0x72: {  	vm2 =	vgt.s32 v6, $0x0;
	v7 =	vnsel vm1, $0x0, v7;
	v8 =	vmin.u32 v8, $0xFFF  }
0x73: {  	[tilespmem:v5+s14+$0x0] =	vst.idx.add.s32.msk $0xffff, v1;
	vm6 =	vgt.s32 v10, $0x0;
	v5 =	vnsel vm2, $0x0, v6;
	v6 =	vmin.u32 v7, $0xFFF  }
0x74: {  	[tilespmem:v3+s14+$0x0] =	vst.idx.add.s32.msk $0xffff, v1;
	vm7 =	vgt.s32 v11, $0x0;
	v7 =	vnsel vm6, $0x0, v10;
	v5 =	vmin.u32 v5, $0xFFF  }
0x75: {  	[tilespmem:v2+s14+$0x0] =	vst.idx.add.s32.msk $0xffff, v1;
	vm8 =	vgt.s32 v12, $0x0;
	v3 =	vnsel vm7, $0x0, v11;
	v7 =	vmin.u32 v7, $0xFFF  }
0x76: {  	[tilespmem:v4+s14+$0x0] =	vst.idx.add.s32.msk $0xffff, v1;
	vm9 =	vgt.s32 v9, $0x0;
	v2 =	vnsel vm8, $0x0, v12;
	v3 =	vmin.u32 v3, $0xFFF  }
0x77: {  	v4 =	vnsel vm9, $0x0, v9;
	v2 =	vmin.u32 v2, $0xFFF;
	[tilespmem:v8+s14+$0x0] =	vst.idx.add.s32.msk $0xffff, v1  }
0x78: {  	v4 =	vmin.u32 v4, $0xFFF;
	[tilespmem:v6+s14+$0x0] =	vst.idx.add.s32.msk $0xffff, v1  }
0x79: {  	[tilespmem:v5+s14+$0x0] =	vst.idx.add.s32.msk $0xffff, v1  }
0x7a: {  	p1 =	seq.s32 s24, $0x7;
	[tilespmem:v7+s14+$0x0] =	vst.idx.add.s32.msk $0xffff, v1  }
0x7b: {  	s25 =	sadd.s32 @!p1 s25, s6;
	[tilespmem:v3+s14+$0x0] =	vst.idx.add.s32.msk $0xffff, v1  }
0x7c: {  	s25 =	sshrl.u32 @!p1 s25, $0x3;
	[tilespmem:v2+s14+$0x0] =	vst.idx.add.s32.msk $0xffff, v1  }
0x7d: {  	s26 =	simm.s32 @!p1 $0x0;
	s25 =	sadd.s32 @!p1 s1, s25;
	[tilespmem:v4+s14+$0x0] =	vst.idx.add.s32.msk $0xffff, v1  }
0x7e: {  	[tilespmem:s26], [sflag:$0x1] =	stream.linear.gather @!p1 [hbm4b:s25+s26], $0x2000, $0x38;
	[tilespmem:$0x8100] =	vst v63  }
0x7f: {  	_ =	swait.ge [sflag:s15], $0x2000  }
0x80: {  	[sflag:s15] =	ssyncset.done $0x0  }
0x81: {  	s30 =	simm.s32 $0x2040;
	[sflag:s15] =	ssyncadd.s32 $0xFFFFE000  }
0x82: {  	v2 =	vld [tilespmem:s30+$0x30]  }
0x83: {  	v3 =	vld [tilespmem:s30+$0xFFFFFFD0]  }
0x84: {  	v4 =	vld [tilespmem:s30+$0xFFFFFFE0]  }
0x85: {  	v5 =	vld [tilespmem:s30+$0xFFFFFFF0]  }
0x86: {  	v6 =	vld [tilespmem:s30+$0x0]  }
0x87: {  	v7 =	vld [tilespmem:s30+$0x10]  }
0x88: {  	v8 =	vld [tilespmem:s30+$0x20]  }
0x89: {  	s31 =	simm.s32 $0x20C0;
	v9 =	vld [tilespmem:s30+$0xFFFFFFC0]  }
0x8a: {  	v10 =	vld [tilespmem:s31+$0x30]  }
0x8b: {  	v12 =	vld [tilespmem:s31+$0xFFFFFFE0];
	v2 =	vmul.f32 $2.560000000e+02, v2  }
0x8c: {  	v13 =	vld [tilespmem:s31+$0xFFFFFFF0];
	v3 =	vmul.f32 $2.560000000e+02, v3;
	v4 =	vmul.f32 $2.560000000e+02, v4  }
0x8d: {  	v5 =	vmul.f32 $2.560000000e+02, v5;
	v6 =	vmul.f32 $2.560000000e+02, v6  }
0x8e: {  	v7 =	vmul.f32 $2.560000000e+02, v7;
	v8 =	vmul.f32 $2.560000000e+02, v8  }
0x8f: {  	v9 =	vmul.f32 $2.560000000e+02, v9;
	v10 =	vmul.f32 $2.560000000e+02, v10;
	v2 =	vadd.f32 $2.048000000e+03, v2  }
0x90: {  	v12 =	vmul.f32 $2.560000000e+02, v12;
	v3 =	vadd.f32 $2.048000000e+03, v3;
	v4 =	vadd.f32 $2.048000000e+03, v4  }
0x91: {  	v13 =	vmul.f32 $2.560000000e+02, v13;
	v5 =	vadd.f32 $2.048000000e+03, v5;
	v6 =	vadd.f32 $2.048000000e+03, v6  }
0x92: {  	v7 =	vadd.f32 $2.048000000e+03, v7;
	v8 =	vadd.f32 $2.048000000e+03, v8;
	v2 =	vtrunc.f32 v2  }
0x93: {  	v9 =	vadd.f32 $2.048000000e+03, v9;
	v3 =	vtrunc.f32 v3;
	v4 =	vtrunc.f32 v4  }
0x94: {  	v10 =	vadd.f32 $2.048000000e+03, v10;
	v5 =	vtrunc.f32 v5;
	v6 =	vtrunc.f32 v6  }
0x95: {  	v7 =	vtrunc.f32 v7;
	v9 =	vtrunc.f32 v9  }
0x96: {  	v8 =	vtrunc.f32 v8;
	v10 =	vtrunc.f32 v10  }
0x97: {  	v2 =	vcvt.f32.s32 v2;
	v9 =	vcvt.f32.s32 v9  }
0x98: {  	v3 =	vcvt.f32.s32 v3;
	v4 =	vcvt.f32.s32 v4  }
0x99: {  	v5 =	vcvt.f32.s32 v5;
	v6 =	vcvt.f32.s32 v6  }
0x9a: {  	v11 =	vld [tilespmem:s31+$0xFFFFFFD0];
	v13 =	vadd.f32 $2.048000000e+03, v13;
	v7 =	vcvt.f32.s32 v7;
	v8 =	vcvt.f32.s32 v8  }
0x9b: {  	vm10 =	vgt.s32 v2, $0x0;
	vm11 =	vgt.s32 v9, $0x0;
	vm12 =	vgt.s32 v3, $0x0  }
0x9c: {  	v14 =	vld [tilespmem:s31+$0x0];
	vm13 =	vgt.s32 v4, $0x0;
	vm3 =	vgt.s32 v5, $0x0;
	vm4 =	vgt.s32 v6, $0x0  }
0x9d: {  	vm14 =	vgt.s32 v8, $0x0;
	v2 =	vnsel vm10, $0x0, v2;
	v9 =	vnsel vm11, $0x0, v9  }
0x9e: {  	v17 =	vld [tilespmem:s31+$0xFFFFFFC0];
	v3 =	vnsel vm12, $0x0, v3;
	v4 =	vnsel vm13, $0x0, v4;
	v5 =	vnsel vm3, $0x0, v5  }
0x9f: {  	v15 =	vnsel vm4, $0x0, v6;
	v6 =	vld [tilespmem:s31+$0x10];
	v16 =	vnsel vm14, $0x0, v8;
	v8 =	vmul.f32 $2.560000000e+02, v11  }
0xa0: {  	v11 =	vld [tilespmem:s31+$0x20];
	v2 =	vmin.u32 v2, $0xFFF;
	v9 =	vmin.u32 v9, $0xFFF;
	v18 =	vmin.u32 v5, $0xFFF  }
0xa1: {  	v5 =	vadd.f32 $2.048000000e+03, v12;
	v12 =	vmul.f32 $2.560000000e+02, v14;
	v8 =	vadd.f32 $2.048000000e+03, v8  }
0xa2: {  	v10 =	vcvt.f32.s32 v10;
	v3 =	vmin.u32 v3, $0xFFF;
	v4 =	vmin.u32 v4, $0xFFF  }
0xa3: {  	v14 =	vtrunc.f32 v8;
	v8 =	vadd.f32 $2.048000000e+03, v12;
	v12 =	vmul.f32 $2.560000000e+02, v17  }
0xa4: {  	vm5 =	vgt.s32 v7, $0x0;
	vm15 =	vgt.s32 v10, $0x0;
	v6 =	vmul.f32 $2.560000000e+02, v6  }
0xa5: {  	v7 =	vnsel vm5, $0x0, v7;
	v11 =	vmul.f32 $2.560000000e+02, v11;
	[tilespmem:v9+s14+$0x0] =	vst.idx.add.s32.msk $0xffff, v1;
	v9 =	vadd.f32 $2.048000000e+03, v12  }
0xa6: {  	[tilespmem:v2+s14+$0x0] =	vst.idx.add.s32.msk $0xffff, v1;
	v63 =	vadd.f32 $2.048000000e+03, v6;
	v6 =	vtrunc.f32 v5;
	v5 =	vnsel vm15, $0x0, v10  }
0xa7: {  	[tilespmem:v3+s14+$0x0] =	vst.idx.add.s32.msk $0xffff, v1;
	v2 =	vadd.f32 $2.048000000e+03, v11;
	v10 =	vtrunc.f32 v13;
	v5 =	vmin.u32 v5, $0xFFF  }
0xa8: {  	v3 =	vmin.u32 v15, $0xFFF;
	[tilespmem:v4+s14+$0x0] =	vst.idx.add.s32.msk $0xffff, v1;
	v11 =	vtrunc.f32 v8;
	v4 =	vtrunc.f32 v9  }
0xa9: {  	v12 =	vtrunc.f32 v63;
	v9 =	vtrunc.f32 v2;
	v2 =	vmin.u32 v7, $0xFFF  }
0xaa: {  	s25 =	simm.s32 $0x8;
	s26 =	simm.s32 $0x2140;
	[tilespmem:v18+s14+$0x0] =	vst.idx.add.s32.msk $0xffff, v1;
	v8 =	vcvt.f32.s32 v4;
	v7 =	vcvt.f32.s32 v14;
	v4 =	vmin.u32 v16, $0xFFF  }
.LBB2_7:
0xab: {  	v13 =	vld [tilespmem:s26+$0x30];
	v6 =	vcvt.f32.s32 v6;
	v10 =	vcvt.f32.s32 v10  }
0xac: {  	s25 =	sadd.s32 $0x8, s25;
	v11 =	vcvt.f32.s32 v11;
	v12 =	vcvt.f32.s32 v12;
	vm0 =	vgt.s32 v8, $0x0;
	[tilespmem:v5+s14+$0x0] =	vst.idx.add.s32.msk $0xffff, v1  }
0xad: {  	v9 =	vcvt.f32.s32 v9;
	p1 =	slt.u32 s25, $0x1F8;
	vm1 =	vgt.s32 v7, $0x0;
	v5 =	vld [tilespmem:s26+$0xFFFFFFD0];
	vm2 =	vgt.s32 v6, $0x0  }
0xae: {  	vm3 =	vgt.s32 v10, $0x0;
	vm4 =	vgt.s32 v11, $0x0;
	vm5 =	vgt.s32 v12, $0x0;
	v14 =	vld [tilespmem:s26+$0xFFFFFFE0]  }
0xaf: {  	v8 =	vnsel vm0, $0x0, v8;
	v7 =	vnsel vm1, $0x0, v7;
	vm0 =	vgt.s32 v9, $0x0;
	v15 =	vld [tilespmem:s26+$0xFFFFFFF0]  }
0xb0: {  	v6 =	vnsel vm2, $0x0, v6;
	v10 =	vnsel vm3, $0x0, v10;
	v17 =	vnsel vm4, $0x0, v11;
	v16 =	vld [tilespmem:s26+$0x0]  }
0xb1: {  	v18 =	vnsel vm5, $0x0, v12;
	v19 =	vnsel vm0, $0x0, v9;
	v13 =	vmul.f32 $2.560000000e+02, v13;
	v11 =	vld [tilespmem:s26+$0x10]  }
0xb2: {  	v8 =	vmin.u32 v8, $0xFFF;
	v7 =	vmin.u32 v7, $0xFFF;
	v5 =	vmul.f32 $2.560000000e+02, v5;
	v9 =	vld [tilespmem:s26+$0x20]  }
0xb3: {  	v20 =	vmin.u32 v6, $0xFFF;
	v13 =	vadd.f32 $2.048000000e+03, v13;
	v12 =	vld [tilespmem:s26+$0xFFFFFFC0];
	v14 =	vmul.f32 $2.560000000e+02, v14  }
0xb4: {  	v5 =	vadd.f32 $2.048000000e+03, v5;
	v6 =	vmul.f32 $2.560000000e+02, v15;
	v15 =	vmin.u32 v10, $0xFFF;
	[tilespmem:v3+s14+$0x0] =	vst.idx.add.s32.msk $0xffff, v1  }
0xb5: {  	v13 =	vtrunc.f32 v13;
	v3 =	vadd.f32 $2.048000000e+03, v14;
	v10 =	vmul.f32 $2.560000000e+02, v16;
	[tilespmem:v2+s14+$0x0] =	vst.idx.add.s32.msk $0xffff, v1  }
0xb6: {  	v2 =	vadd.f32 $2.048000000e+03, v6;
	v6 =	vmul.f32 $2.560000000e+02, v11;
	v11 =	vcvt.f32.s32 v13;
	[tilespmem:v4+s14+$0x0] =	vst.idx.add.s32.msk $0xffff, v1  }
0xb7: {  	v4 =	vtrunc.f32 v5;
	v13 =	vadd.f32 $2.048000000e+03, v10;
	v5 =	vmul.f32 $2.560000000e+02, v9;
	[tilespmem:v8+s14+$0x0] =	vst.idx.add.s32.msk $0xffff, v1  }
0xb8: {  	v8 =	vmul.f32 $2.560000000e+02, v12;
	v9 =	vadd.f32 $2.048000000e+03, v6;
	vm0 =	vgt.s32 v11, $0x0;
	[tilespmem:v7+s14+$0x0] =	vst.idx.add.s32.msk $0xffff, v1  }
.Ltmp4:
0xb9: {  	v6 =	vtrunc.f32 v3;
	v7 =	vadd.f32 $2.048000000e+03, v5;
	v3 =	vnsel vm0, $0x0, v11;
	[tilespmem:v20+s14+$0x0] =	vst.idx.add.s32.msk $0xffff, v1;
	(pc) =	sbr.rel @p1 .LBB2_7-.Ltmp4, $4  }
0xba: {  	v10 =	vtrunc.f32 v2;
	v8 =	vadd.f32 $2.048000000e+03, v8;
	v5 =	vmin.u32 v3, $0xFFF;
	[tilespmem:v15+s14+$0x0] =	vst.idx.add.s32.msk $0xffff, v1  }
0xbb: {  	v11 =	vtrunc.f32 v13;
	v12 =	vtrunc.f32 v9;
	v3 =	vmin.u32 v17, $0xFFF  }
0xbc: {  	v2 =	vmin.u32 v18, $0xFFF;
	v9 =	vtrunc.f32 v7;
	v8 =	vtrunc.f32 v8  }
0xbd: {  	s26 =	sadd.s32 $0x80, s26;
	v7 =	vcvt.f32.s32 v4;
	v4 =	vmin.u32 v19, $0xFFF;
	v8 =	vcvt.f32.s32 v8  }
0xbe: {  	v6 =	vcvt.f32.s32 v6;
	v10 =	vcvt.f32.s32 v10  }
0xbf: {  	v11 =	vcvt.f32.s32 v11;
	v12 =	vcvt.f32.s32 v12;
	vm0 =	vgt.s32 v8, $0x0  }
0xc0: {  	v9 =	vcvt.f32.s32 v9;
	vm1 =	vgt.s32 v7, $0x0;
	v8 =	vnsel vm0, $0x0, v8  }
0xc1: {  	vm2 =	vgt.s32 v6, $0x0;
	v7 =	vnsel vm1, $0x0, v7;
	v8 =	vmin.u32 v8, $0xFFF  }
0xc2: {  	[tilespmem:v5+s14+$0x0] =	vst.idx.add.s32.msk $0xffff, v1;
	vm12 =	vgt.s32 v10, $0x0;
	v60 =	vnsel vm2, $0x0, v6;
	v61 =	vmin.u32 v7, $0xFFF  }
0xc3: {  	[tilespmem:v3+s14+$0x0] =	vst.idx.add.s32.msk $0xffff, v1;
	vm13 =	vgt.s32 v11, $0x0;
	v62 =	vnsel vm12, $0x0, v10;
	v5 =	vmin.u32 v60, $0xFFF  }
0xc4: {  	[tilespmem:v2+s14+$0x0] =	vst.idx.add.s32.msk $0xffff, v1;
	vm14 =	vgt.s32 v12, $0x0;
	v3 =	vnsel vm13, $0x0, v11;
	v7 =	vmin.u32 v62, $0xFFF  }
0xc5: {  	[tilespmem:v4+s14+$0x0] =	vst.idx.add.s32.msk $0xffff, v1;
	vm15 =	vgt.s32 v9, $0x0;
	v2 =	vnsel vm14, $0x0, v12;
	v3 =	vmin.u32 v3, $0xFFF  }
0xc6: {  	s24 =	sadd.s32 $0x1, s24;
	v63 =	vnsel vm15, $0x0, v9;
	v2 =	vmin.u32 v2, $0xFFF;
	[tilespmem:v8+s14+$0x0] =	vst.idx.add.s32.msk $0xffff, v1  }
0xc7: {  	p1 =	sne.s32 s24, $0x8;
	v4 =	vmin.u32 v63, $0xFFF;
	[tilespmem:v61+s14+$0x0] =	vst.idx.add.s32.msk $0xffff, v1  }
.Ltmp5:
0xc8: {  	[tilespmem:v5+s14+$0x0] =	vst.idx.add.s32.msk $0xffff, v1;
	(pc) =	sbr.rel @p1 .LBB2_4-.Ltmp5, $4  }
0xc9: {  	[tilespmem:v7+s14+$0x0] =	vst.idx.add.s32.msk $0xffff, v1  }
0xca: {  	[tilespmem:v3+s14+$0x0] =	vst.idx.add.s32.msk $0xffff, v1  }
0xcb: {  	[tilespmem:v2+s14+$0x0] =	vst.idx.add.s32.msk $0xffff, v1  }
0xcc: {  	[tilespmem:v4+s14+$0x0] =	vst.idx.add.s32.msk $0xffff, v1  }
0xcd: {  	[spmem:s7] =	stream.strided.scatter [tilespmem:s14], [sflag:$0x3], $0x1000, s17, s16, $0x38;
	[tilespmem:$0x8100] =	vst v63  }
0xce: {  	_ =	swait.ge [sflag:s18], $0x1000  }
0xcf: {  	[sflag:s18] =	ssyncset.done $0x0  }
0xd0: {  	[sflag:s18] =	ssyncadd.s32 $0xFFFFF000  }
0xd1: {  	[bflag:$0x0] =	sbarrier.arrive $0xFFFF  }
0xd2: {  	[tilespmem:s19], [sflag:$0x3] =	stream.strided.gather [spmem:s8], $0x1000, s17, s16, $0x38;
	[tilespmem:$0x8100] =	vst v63  }
0xd3: {  	_ =	swait.ge [sflag:s18], $0x1000  }
0xd4: {  	[sflag:s18] =	ssyncset.done $0x0  }
0xd5: {  	s29 =	simm.s32 $0x4020;
	[sflag:s18] =	ssyncadd.s32 $0xFFFFF000  }
0xd6: {  	s24 =	simm.s32 $0x6020;
	v2 =	vld [tilespmem:s29+$0x10]  }
0xd7: {  	v3 =	vld [tilespmem:s24+$0x10]  }
0xd8: {  	v4 =	vld [tilespmem:s24+$0x0]  }
0xd9: {  	v5 =	vld [tilespmem:s24+$0xFFFFFFF0]  }
0xda: {  	v6 =	vld [tilespmem:s29+$0xFFFFFFE0]  }
0xdb: {  	v7 =	vld [tilespmem:s24+$0xFFFFFFE0]  }
0xdc: {  	v8 =	vld [tilespmem:s29+$0xFFFFFFF0]  }
0xdd: {  	s25 =	simm.s32 $0x4060;
	v9 =	vld [tilespmem:s29+$0x0]  }
0xde: {  	s26 =	simm.s32 $0x6060;
	v10 =	vld [tilespmem:s25+$0x10]  }
0xdf: {  	v11 =	vld [tilespmem:s26+$0x10]  }
0xe0: {  	v12 =	vld [tilespmem:s26+$0x0];
	v6 =	vadd.s32 v6, v7  }
0xe1: {  	v13 =	vld [tilespmem:s25+$0xFFFFFFF0];
	v5 =	vadd.s32 v8, v5;
	(xrf0) =	vadd.scan.msk.s32 $0xffff, v6  }
0xe2: {  	v8 =	vld [tilespmem:s25+$0xFFFFFFE0];
	(xrf0) =	vadd.scan.msk.s32 $0xffff, v5  }
0xe3: {  	v4 =	vadd.s32 v9, v4;
	v9 =	vld [tilespmem:s26+$0xFFFFFFE0]  }
0xe4: {  	v7 =	vld [tilespmem:s26+$0xFFFFFFF0];
	(xrf0) =	vadd.scan.msk.s32 $0xffff, v4  }
0xe5: {  	v14 =	vld [tilespmem:s25+$0x0];
	s24 =	simm.s32 $0x40A0;
	v3 =	vadd.s32 v2, v3;
	[tilespmem:s29+$0xFFFFFFE0] =	vst v6  }
0xe6: {  	v15 =	vld [tilespmem:s24+$0x10];
	s26 =	simm.s32 $0x60A0;
	[tilespmem:s29+$0xFFFFFFF0] =	vst v5;
	(xrf0) =	vadd.scan.msk.s32 $0xffff, v3  }
0xe7: {  	v16 =	vimm.s32 $0x0;
	v17 =	vld [tilespmem:s26+$0x10];
	[tilespmem:s29+$0x0] =	vst v4;
	v6, _, _ =	vpop (xrf0)  }
0xe8: {  	v2 =	vadd.s32 v10, v11;
	[tilespmem:s29+$0x10] =	vst v3;
	v5 =	vld [tilespmem:s26+$0x0];
	v8 =	vadd.s32 v8, v9;
	v10 =	vbroadcast v6, $0xF;
	v18, _, _ =	vpop (xrf0)  }
0xe9: {  	v4 =	vld [tilespmem:s26+$0xFFFFFFF0];
	v11 =	vadd.s32 v13, v7;
	(xrf0) =	vadd.scan.msk.s32 $0xffff, v8;
	[tilespmem:s25+$0xFFFFFFE0] =	vst v8;
	v13 =	vbroadcast v18, $0xF  }
0xea: {  	s28 =	simm.s32 $0x5020;
	v7 =	vld [tilespmem:s24+$0xFFFFFFE0];
	v9 =	vadd.s32 v16, v6;
	v6 =	vadd.s32 v14, v12;
	v19, _, _ =	vpop (xrf0);
	(xrf0) =	vadd.scan.msk.s32 $0xffff, v11;
	v8 =	vadd.s32 v16, v10  }
0xeb: {  	[tilespmem:s28+$0xFFFFFFE0] =	vst v9;
	v9 =	vld [tilespmem:s26+$0xFFFFFFE0];
	(xrf0) =	vadd.scan.msk.s32 $0xffff, v6;
	v14 =	vbroadcast v19, $0xF;
	v13 =	vadd.s32 v8, v13  }
0xec: {  	[tilespmem:s25+$0xFFFFFFF0] =	vst v11;
	v3 =	vadd.s32 v15, v17;
	v11, _, _ =	vpop (xrf0);
	v10 =	vld [tilespmem:s24+$0xFFFFFFF0];
	(xrf0) =	vadd.scan.msk.s32 $0xffff, v2;
	v63 =	vadd.s32 v13, v19  }
0xed: {  	s30 =	simm.s32 $0x8;
	s31 =	simm.s32 $0x40E0;
	s29 =	simm.s32 $0x5020;
	v12 =	vadd.s32 v8, v18;
	v8 =	vld [tilespmem:s24+$0x0];
	v13 =	vadd.s32 v13, v14;
	v14 =	vbroadcast v11, $0xF;
	[tilespmem:s28+$0x0] =	vst v63  }
.LBB2_10:
0xee: {  	v15 =	vld [tilespmem:s31+$0x10];
	s30 =	sadd.s32 $0x4, s30;
	s26 =	sadd.s32 $0x40, s26;
	[tilespmem:s28+$0xFFFFFFF0] =	vst v12;
	v11 =	vadd.s32 v13, v11;
	s29 =	sadd.s32 $0x40, s29  }
0xef: {  	v16 =	vld [tilespmem:s26+$0x10];
	p1 =	slt.u32 s30, $0xFC;
	v12, _, _ =	vpop (xrf0);
	[tilespmem:s28+$0x10] =	vst v11;
	v11 =	vadd.s32 v13, v14;
	s28 =	smov.u32 s29  }
0xf0: {  	v17 =	vld [tilespmem:s26+$0x0];
	v9 =	vadd.s32 v7, v9;
	v7 =	vadd.s32 v11, v12;
	v12 =	vbroadcast v12, $0xF;
	[tilespmem:s25+$0x0] =	vst v6;
	v13, _, _ =	vpop (xrf0)  }
.Ltmp6:
0xf1: {  	v10 =	vadd.s32 v10, v4;
	v4 =	vld [tilespmem:s26+$0xFFFFFFF0];
	(xrf0) =	vadd.scan.msk.s32 $0xffff, v9;
	[tilespmem:s29+$0xFFFFFFE0] =	vst v7;
	v14 =	vbroadcast v13, $0xF;
	v18, _, _ =	vpop (xrf0);
	(pc) =	sbr.rel @p1 .LBB2_10-.Ltmp6, $4  }
0xf2: {  	v7 =	vld [tilespmem:s31+$0xFFFFFFE0];
	[tilespmem:s24+$0xFFFFFFE0] =	vst v9;
	v6 =	vadd.s32 v8, v5;
	(xrf0) =	vadd.scan.msk.s32 $0xffff, v10;
	v5 =	vadd.s32 v11, v12;
	v11, _, _ =	vpop (xrf0)  }
0xf3: {  	v19 =	vbroadcast v18, $0xF;
	v9 =	vld [tilespmem:s26+$0xFFFFFFE0];
	[tilespmem:s24+$0xFFFFFFF0] =	vst v10;
	(xrf0) =	vadd.scan.msk.s32 $0xffff, v6;
	v14 =	vadd.s32 v5, v14  }
0xf4: {  	v12 =	vadd.s32 v5, v13;
	v10 =	vld [tilespmem:s31+$0xFFFFFFF0];
	(xrf0) =	vadd.scan.msk.s32 $0xffff, v3;
	v18 =	vadd.s32 v14, v18;
	[tilespmem:s25+$0x10] =	vst v2;
	v2 =	vmovc v3;
	s25 =	smov.u32 s24;
	s24 =	smov.u32 s31  }
0xf5: {  	v3 =	vadd.s32 v15, v16;
	s31 =	sadd.s32 $0x40, s31;
	v13 =	vadd.s32 v14, v19;
	v14 =	vbroadcast v11, $0xF;
	v8 =	vld [tilespmem:s24+$0x0];
	[tilespmem:s29+$0x0] =	vst v18;
	v5 =	vmovc v17  }
0xf6: {  	_ = 	snop  }
0xf7: {  	[tilespmem:s28+$0xFFFFFFF0] =	vst v12  }
0xf8: {  	[tilespmem:s25+$0x0] =	vst v6;
	v7 =	vadd.s32 v7, v9  }
0xf9: {  	v11 =	vadd.s32 v13, v11;
	[tilespmem:s25+$0x10] =	vst v2;
	v47, _, _ =	vpop (xrf0);
	v4 =	vadd.s32 v10, v4;
	(xrf0) =	vadd.scan.msk.s32 $0xffff, v7  }
0xfa: {  	[tilespmem:s24+$0x10] =	vst v3;
	v48 =	vadd.s32 v13, v14;
	v50, _, _ =	vpop (xrf0);
	(xrf0) =	vadd.scan.msk.s32 $0xffff, v4;
	v5 =	vadd.s32 v8, v5  }
0xfb: {  	s26 =	sadd.s32 $0x40, s29;
	[tilespmem:s28+$0x10] =	vst v11;
	v49 =	vadd.s32 v48, v47;
	v9 =	vbroadcast v47, $0xF;
	v52, _, _ =	vpop (xrf0);
	(xrf0) =	vadd.scan.msk.s32 $0xffff, v5  }
0xfc: {  	[tilespmem:s26+$0xFFFFFFE0] =	vst v49;
	v51 =	vbroadcast v50, $0xF  }
0xfd: {  	[tilespmem:s24+$0xFFFFFFE0] =	vst v7;
	v53 =	vadd.s32 v48, v9;
	v55 =	vbroadcast v52, $0xF  }
0xfe: {  	[tilespmem:s24+$0xFFFFFFF0] =	vst v4;
	v56, _, _ =	vpop (xrf0);
	v54 =	vadd.s32 v53, v51;
	(xrf0) =	vadd.scan.msk.s32 $0xffff, v3  }
0xff: {  	v2 =	vadd.s32 v53, v50;
	v57 =	vbroadcast v56, $0xF;
	[tilespmem:s24+$0x0] =	vst v5;
	v4 =	vadd.s32 v54, v55;
	v58, _, _ =	vpop (xrf0)  }
0x100: {  	[tilespmem:s26+$0xFFFFFFF0] =	vst v2;
	v2 =	vadd.s32 v4, v56;
	v59 =	vbroadcast v58, $0xF;
	v60, _, _ =	vpop (xrf0)  }
0x101: {  	v8 =	vadd.s32 v54, v52;
	[tilespmem:s26+$0x10] =	vst v2;
	v2 =	vadd.s32 v4, v57;
	v61 =	vbroadcast v60, $0xF;
	v62, _, _ =	vpop (xrf0)  }
.Ltmp7:
0x102: {  	s31 =	sadd.s32 $0x40, s26;
	[tilespmem:s26+$0x0] =	vst v8;
	v6 =	vadd.s32 v2, v58;
	v2 =	vadd.s32 v2, v59;
	v63 =	vbroadcast v62, $0xF;
	(pc) =	sbr.rel @p0 .LBB2_15-.Ltmp7, $4  }
0x103: {  	[tilespmem:s31+$0xFFFFFFE0] =	vst v6;
	v4 =	vadd.s32 v2, v61;
	v2 =	vadd.s32 v2, v60  }
0x104: {  	v3, _, _ =	vpop (xrf0);
	v5 =	vadd.s32 v4, v62;
	v4 =	vadd.s32 v4, v63;
	[tilespmem:s31+$0xFFFFFFF0] =	vst v2  }
0x105: {  	[tilespmem:s31+$0x0] =	vst v5;
	v2 =	vadd.s32 v4, v3  }
0x106: {  	[tilespmem:s31+$0x10] =	vst v2  }
0x107: {  	s24 =	simm.s32 $0x5020  }
0x108: {  	v3 =	vld [tilespmem:s24+$0x10]  }
0x109: {  	v4 =	vld [tilespmem:s24+$0x0]  }
0x10a: {  	v5 =	vld [tilespmem:s24+$0xFFFFFFF0];
	_ =	sdelay $0x2  }
0x10b: {  	v2 =	vimm.s32 $0x0;
	vm2 =	vlt.s32 v3, $0x6667;
	vm3 =	vlt.s32 v3, $0x6668  }
0x10c: {  	v6 =	vld [tilespmem:s24+$0xFFFFFFE0];
	vm4 =	vlt.s32 v3, $0x39999;
	vm5 =	vlt.s32 v4, $0x6667;
	vm6 =	vlt.s32 v4, $0x6668  }
0x10d: {  	vm7 =	vlt.s32 v3, $0x3999A;
	vm8 =	vlt.s32 v5, $0x6667;
	vm9 =	vlt.s32 v4, $0x39999  }
0x10e: {  	vm10 =	vlt.s32 v4, $0x3999A;
	vm11 =	vlt.s32 v5, $0x6668;
	v8 =	vmpcnt.ones.xlane vm2  }
0x10f: {  	vm0 =	vlt.s32 v5, $0x39999;
	v3 =	vmpcnt.ones.xlane vm3;
	v4 =	vmpcnt.ones.xlane vm4  }
0x110: {  	vm1 =	vlt.s32 v5, $0x3999A;
	v5 =	vmpcnt.ones.xlane vm7;
	v16 =	vmpcnt.ones.xlane vm5  }
0x111: {  	vm2 =	vlt.s32 v6, $0x6667;
	v14 =	vmpcnt.ones.xlane vm8;
	v9 =	vmpcnt.ones.xlane vm6  }
0x112: {  	vm15 =	vlt.s32 v6, $0x3999A;
	v11 =	vmpcnt.ones.xlane vm9;
	v7 =	vmpcnt.ones.xlane vm2  }
0x113: {  	vm3 =	vlt.s32 v6, $0x6668;
	v10 =	vmpcnt.ones.xlane vm10;
	v12 =	vmpcnt.ones.xlane vm11  }
0x114: {  	vm2 =	vlt.s32 v6, $0x39999;
	v13 =	vmpcnt.ones.xlane vm3;
	v6 =	vadd.s32 v2, v7  }
0x115: {  	v15 =	vmpcnt.ones.xlane vm2;
	v7 =	vimm.s32 $0x0;
	v6 =	vadd.s32 v14, v6  }
0x116: {  	s25 =	simm.s32 $0x5060;
	s24 =	simm.s32 $0x0;
	v14 =	vmpcnt.ones.xlane vm15;
	v16 =	vadd.s32 v16, v6;
	v6 =	vimm.s32 $0x0  }
.LBB2_13:
0x117: {  	v17 =	vld [tilespmem:s25+$0x10];
	v18 =	vmpcnt.ones.xlane vm0;
	v19 =	vmpcnt.ones.xlane vm1;
	v16 =	vadd.s32 v8, v16  }
0x118: {  	v2 =	vadd.s32 v2, v13;
	v8 =	vld [tilespmem:s25+$0x0];
	v7 =	vadd.s32 v7, v15;
	v6 =	vadd.s32 v6, v14  }
0x119: {  	v2 =	vadd.s32 v12, v2;
	v13 =	vld [tilespmem:s25+$0xFFFFFFF0];
	v7 =	vadd.s32 v18, v7;
	v6 =	vadd.s32 v19, v6  }
0x11a: {  	v2 =	vadd.s32 v9, v2;
	v7 =	vadd.s32 v11, v7;
	v6 =	vadd.s32 v10, v6  }
0x11b: {  	v2 =	vadd.s32 v3, v2;
	v9 =	vld [tilespmem:s25+$0xFFFFFFE0];
	v7 =	vadd.s32 v4, v7;
	v6 =	vadd.s32 v5, v6  }
0x11c: {  	vm2 =	vlt.s32 v17, $0x6667;
	vm3 =	vlt.s32 v17, $0x6668;
	vm4 =	vlt.s32 v17, $0x39999  }
0x11d: {  	vm7 =	vlt.s32 v17, $0x3999A;
	vm5 =	vlt.s32 v8, $0x6667;
	vm6 =	vlt.s32 v8, $0x6668  }
0x11e: {  	vm9 =	vlt.s32 v8, $0x39999;
	vm10 =	vlt.s32 v8, $0x3999A;
	vm8 =	vlt.s32 v13, $0x6667  }
0x11f: {  	vm11 =	vlt.s32 v13, $0x6668;
	vm0 =	vlt.s32 v13, $0x39999;
	vm1 =	vlt.s32 v13, $0x3999A  }
0x120: {  	s24 =	sadd.s32 $0x4, s24;
	v8 =	vmpcnt.ones.xlane vm2;
	v3 =	vmpcnt.ones.xlane vm3;
	vm12 =	vlt.s32 v9, $0x6667  }
0x121: {  	p1 =	slt.u32 s24, $0xFC;
	v4 =	vmpcnt.ones.xlane vm4;
	v5 =	vmpcnt.ones.xlane vm7;
	vm2 =	vlt.s32 v9, $0x6668  }
.Ltmp8:
0x122: {  	v17 =	vmpcnt.ones.xlane vm5;
	vm3 =	vlt.s32 v9, $0x39999;
	v10 =	vmpcnt.ones.xlane vm12;
	(pc) =	sbr.rel @p1 .LBB2_13-.Ltmp8, $4  }
0x123: {  	v12 =	vmpcnt.ones.xlane vm8;
	vm4 =	vlt.s32 v9, $0x3999A;
	v9 =	vmpcnt.ones.xlane vm6  }
0x124: {  	v11 =	vmpcnt.ones.xlane vm9;
	v14 =	vadd.s32 v16, v10;
	v10 =	vmpcnt.ones.xlane vm10  }
0x125: {  	v13 =	vmpcnt.ones.xlane vm2;
	v16 =	vadd.s32 v12, v14;
	v12 =	vmpcnt.ones.xlane vm11  }
0x126: {  	s25 =	sadd.s32 $0x40, s25;
	v15 =	vmpcnt.ones.xlane vm3;
	v14 =	vmpcnt.ones.xlane vm4;
	v16 =	vadd.s32 v17, v16  }
0x127: {  	v17 =	vmpcnt.ones.xlane vm0;
	v18 =	vmpcnt.ones.xlane vm1;
	v2 =	vadd.s32 v2, v13  }
0x128: {  	v8 =	vadd.s32 v8, v16;
	v7 =	vadd.s32 v7, v15;
	v2 =	vadd.s32 v12, v2  }
0x129: {  	v6 =	vadd.s32 v6, v14;
	v7 =	vadd.s32 v17, v7;
	v2 =	vadd.s32 v9, v2  }
0x12a: {  	v6 =	vadd.s32 v18, v6;
	v7 =	vadd.s32 v11, v7;
	v2 =	vadd.s32 v3, v2  }
0x12b: {  	v3 =	vadd.s32 v10, v6;
	v4 =	vadd.s32 v4, v7  }
0x12c: {  	v3 =	vadd.s32 v5, v3;
	_ =	sdelay $0x1  }
0x12d: {  	v49 =	vld.idx.msk [tilespmem:v8+s14+$0x0], $0xffff  }
0x12e: {  	v50 =	vld.idx.msk [tilespmem:v2+s14+$0x0], $0xffff  }
0x12f: {  	v7 =	vld.idx.msk [tilespmem:v4+s14+$0x0], $0xffff  }
0x130: {  	v51 =	vld.idx.msk [tilespmem:v3+s14+$0x0], $0xffff;
	_ =	sdelay $0x1  }
0x131: {  	v52 =	vld.idx.msk [tilespmem:v8+s20+$0x0], $0xffff;
	v53 =	vcvt.s32.f32 v49  }
0x132: {  	v54 =	vld.idx.msk [tilespmem:v2+s20+$0x0], $0xffff;
	v55 =	vcvt.s32.f32 v50  }
0x133: {  	v56 =	vld.idx.msk [tilespmem:v4+s20+$0x0], $0xffff;
	(erf) = vrcp.f32 v53;
	v57 =	vcvt.s32.f32 v7  }
0x134: {  	v58 =	vld.idx.msk [tilespmem:v3+s20+$0x0], $0xffff;
	v59 =	vcvt.s32.f32 v51;
	(erf) = vrcp.f32 v55  }
0x135: {  	(erf) = vrcp.f32 v57  }
0x136: {  	(erf) = vrcp.f32 v59  }
0x137: {  	v5 =	vsub.s32 v52, v49  }
0x138: {  	v5 =	vcvt.s32.f32 v5;
	v6 =	vsub.s32 v54, v50  }
0x139: {  	v6 =	vcvt.s32.f32 v6;
	v7 =	vsub.s32 v56, v7;
	v9 =	vsub.s32 v58, v51  }
0x13a: {  	v7 =	vcvt.s32.f32 v7;
	v9 =	vcvt.s32.f32 v9  }
0x13b: {  	v8 =	vcvt.s32.f32 v8;
	v5 =	vsub.f32 $2.621400000e+04, v5;
	v6 =	vsub.f32 $2.621500000e+04, v6  }
0x13c: {  	v2 =	vcvt.s32.f32 v2;
	v7 =	vsub.f32 $2.359280000e+05, v7;
	v9 =	vsub.f32 $2.359290000e+05, v9;
	v60 =	vpop (erf)  }
0x13d: {  	v4 =	vcvt.s32.f32 v4;
	v5 =	vadd.f32 $5.000000000e-01, v5;
	v6 =	vadd.f32 $5.000000000e-01, v6;
	v61 =	vpop (erf)  }
0x13e: {  	v3 =	vcvt.s32.f32 v3;
	v7 =	vadd.f32 $5.000000000e-01, v7;
	v9 =	vadd.f32 $5.000000000e-01, v9;
	v62 =	vpop (erf)  }
0x13f: {  	v5 =	vmul.f32 v5, v60;
	v6 =	vmul.f32 v6, v61;
	v63 =	vpop (erf)  }
0x140: {  	v7 =	vmul.f32 v7, v62;
	v9 =	vmul.f32 v9, v63  }
0x141: {  	v5 =	vadd.f32 v8, v5;
	v2 =	vadd.f32 v2, v6  }
0x142: {  	v4 =	vadd.f32 v4, v7;
	v3 =	vadd.f32 v3, v9  }
0x143: {  	v5 =	vmul.f32 $3.906250000e-03, v5;
	v2 =	vmul.f32 $3.906250000e-03, v2  }
0x144: {  	v4 =	vmul.f32 $3.906250000e-03, v4;
	v3 =	vmul.f32 $3.906250000e-03, v3  }
0x145: {  	v5 =	vadd.f32 $-8.000000000e+00, v5;
	v2 =	vadd.f32 $-8.000000000e+00, v2  }
0x146: {  	v4 =	vadd.f32 $-8.000000000e+00, v4;
	v3 =	vadd.f32 $-8.000000000e+00, v3  }
0x147: {  	v2 =	vsub.f32 v2, v5  }
0x148: {  	v3 =	vsub.f32 v3, v4  }
0x149: {  	v2 =	vmul.f32 $3.000000120e-01, v2  }
0x14a: {  	v3 =	vmul.f32 $6.999999880e-01, v3  }
0x14b: {  	v2 =	vadd.f32 v2, v5  }
0x14c: {  	v3 =	vadd.f32 v3, v4  }
0x14d: {  	[tilespmem:$0x7000] =	vst v2  }
0x14e: {  	[tilespmem:$0x7080] =	vst v3  }
0x14f: {  	[hbm4b:s9+s3] =	stream.linear.scatter [tilespmem:s21], [sflag:$0x3], $0x10, $0x38;
	[tilespmem:$0x8100] =	vst v63  }
0x150: {  	_ =	swait.ge [sflag:s18], $0x10  }
0x151: {  	[sflag:s18] =	ssyncset.done $0x0  }
.Ltmp9:
0x152: {  	[sflag:s18] =	ssyncadd.s32 $0xFFFFFFF0;
	(pc) =	sbr.rel .LBB2_15-.Ltmp9, $4  }
0x153: {  	[hbm4b:s10+s3] =	stream.linear.scatter [tilespmem:s22], [sflag:$0x3], $0x10, $0x38;
	[tilespmem:$0x8100] =	vst v63  }
0x154: {  	_ =	swait.ge [sflag:s18], $0x10  }
0x155: {  	[sflag:s18] =	ssyncset.done $0x0  }
0x156: {  	[sflag:s18] =	ssyncadd.s32 $0xFFFFFFF0  }
.LBB2_16:
0x157: {  	_ =	sfence.sel $0x180000  }
0x158: {  	[bflag:$0x0] =	sbarrier.arrive $0xFFFF  }
0x159: {  	p0 =	sne.s32 s2, $0x0;
	_ =	strace $0x90000047  }
0x15a: {  	s0 =	sadd.s32 @!p0 $0x100000, s0;
	[bflag:$0x2] =	sbarrier.arrive $0xFFFF  }
0x15b: {  	[sflag:s0] =	ssyncadd.tile.s32 @!p0 $0x1;
	_ =	shalt  }
.Lfunc_end2:
_tile_overlayer_lowered:
.L_overlay_start_2:
0x15c: {  	(tag) =	ssettag $0x2  }
0x15d: {  	s0 =	rddreg [dreg:$0x0];
	s2 =	stileid.u32  }
0x15e: {  	s1 =	rddreg [dreg:$0x1];
	p0 =	sne.s32 s2, $0x0  }
0x15f: {  	s3 =	rddreg [dreg:$0x2];
	[bflag:$0x3] =	sbarrier.arrive $0xFFFF;
	s2 =	simm.s32 @!p0 $0x1C03  }
0x160: {  	[timem:s3], [sflag:s2] =	dma.local @!p0 [hbm:s0], s1  }
0x161: {  	s0 =	simm.s32 @!p0 $0x3  }
0x162: {  	_ =	swait.ge @!p0 [sflag:s0], s1  }
0x163: {  	s1 =	ssub.s32 @!p0 $0x0, s1;
	[sflag:s0] =	ssyncset.done @!p0 $0x0  }
0x164: {  	[sflag:s0] =	ssyncadd.s32 @!p0 s1  }
0x165: {  	[bflag:$0x3] =	sbarrier.arrive $0xFFFF  }
0x166: {  	_ =	shalt  }

</sc_bundles>
